<compile_context>
chip_gen: v7x
topology: tpu7x:2x2x1
jax: 0.10.2.dev20260603
libtpu: 0.0.44.dev20260713+nightly
codegen_flags: <defaults>
</compile_context>

<pallas_src>
import functools

import jax
import jax.numpy as jnp
from jax import lax
from jax.experimental import pallas as pl
from jax.experimental.pallas import tpu as pltpu
from jax.experimental.pallas import tpu_sc as plsc

N = 10000
D = 128
N_PAD = 10240
NC = 2
NS = 16
TILES = NC * NS
CHUNK = 128
CPT = 80
E_PAD = TILES * CPT * CHUNK
ROWS_PER_TILE = N_PAD // NS
BLK = 512
GRID = N_PAD // BLK

_mesh = plsc.VectorSubcoreMesh(core_axis_name="c", subcore_axis_name="s")


def _zero_shared_slice(zbuf, acc_sh, sid, width):
    def zrow(i, _):
        for j in range(width // 16):
            zbuf[i, pl.ds(j * 16, 16)] = jnp.zeros((16,), jnp.float32)
        return 0
    lax.fori_loop(0, CHUNK, zrow, 0)
    for k in range(ROWS_PER_TILE // CHUNK):
        pltpu.sync_copy(zbuf, acc_sh.at[pl.ds(sid * ROWS_PER_TILE + k * CHUNK, CHUNK)])


@functools.partial(
    pl.kernel,
    out_type=jax.ShapeDtypeStruct((NC, N_PAD, 16), jnp.float32),
    mesh=_mesh,
    scratch_types=[
        pltpu.VMEM((CPT, CHUNK), jnp.int32),
        pltpu.VMEM((CHUNK, 16), jnp.float32),
        pltpu.VMEM_SHARED((N_PAD, 16), jnp.float32),
    ],
)
def _deg_kernel(dst_hbm, out_hbm, dst_v, ones_v, acc_sh):
    cid = lax.axis_index("c")
    sid = lax.axis_index("s")
    wid = cid * NS + sid
    _zero_shared_slice(ones_v, acc_sh, sid, 16)

    def orow(i, _):
        ones_v[i, pl.ds(0, 16)] = jnp.ones((16,), jnp.float32)
        return 0
    lax.fori_loop(0, CHUNK, orow, 0)
    pltpu.sync_copy(dst_hbm.at[wid], dst_v)
    plsc.subcore_barrier()

    def step(j, _):
        pltpu.sync_copy(ones_v, acc_sh.at[dst_v.at[j]], add=True)
        return 0
    lax.fori_loop(0, CPT, step, 0)
    plsc.subcore_barrier()
    pltpu.sync_copy(acc_sh.at[pl.ds(sid * ROWS_PER_TILE, ROWS_PER_TILE)],
                    out_hbm.at[cid, pl.ds(sid * ROWS_PER_TILE, ROWS_PER_TILE)])


@functools.partial(
    pl.kernel,
    out_type=jax.ShapeDtypeStruct((NC, N_PAD, D), jnp.float32),
    mesh=_mesh,
    scratch_types=[
        pltpu.VMEM((CHUNK,), jnp.int32),
        pltpu.VMEM((CHUNK,), jnp.int32),
        pltpu.VMEM((CHUNK,), jnp.int32),
        pltpu.VMEM((CHUNK,), jnp.int32),
        pltpu.VMEM((CHUNK, D), jnp.float32),
        pltpu.VMEM((CHUNK, D), jnp.float32),
        pltpu.VMEM_SHARED((N_PAD, D), jnp.float32),
        pltpu.SemaphoreType.DMA,
        pltpu.SemaphoreType.DMA,
        pltpu.SemaphoreType.DMA,
        pltpu.SemaphoreType.DMA,
    ],
)
def _prop_kernel(table_hbm, src_hbm, dst_hbm, out_hbm,
                 sbuf0, sbuf1, dbuf0, dbuf1, rows0, rows1, acc_sh,
                 sem0, sem1, semi0, semi1):
    cid = lax.axis_index("c")
    sid = lax.axis_index("s")
    wid = cid * NS + sid
    _zero_shared_slice(rows0, acc_sh, sid, D)
    plsc.subcore_barrier()

    def pair(g, _):
        j0 = 2 * g
        ci0 = pltpu.async_copy(src_hbm.at[wid, j0], sbuf0, semi0)
        ci1 = pltpu.async_copy(src_hbm.at[wid, j0 + 1], sbuf1, semi1)
        pltpu.sync_copy(dst_hbm.at[wid, j0], dbuf0)
        pltpu.sync_copy(dst_hbm.at[wid, j0 + 1], dbuf1)
        ci0.wait()
        c0 = pltpu.async_copy(table_hbm.at[sbuf0], rows0, sem0)
        ci1.wait()
        c1 = pltpu.async_copy(table_hbm.at[sbuf1], rows1, sem1)
        c0.wait()
        pltpu.sync_copy(rows0, acc_sh.at[dbuf0], add=True)
        c1.wait()
        pltpu.sync_copy(rows1, acc_sh.at[dbuf1], add=True)
        return 0
    lax.fori_loop(0, CPT // 2, pair, 0)
    plsc.subcore_barrier()
    pltpu.sync_copy(acc_sh.at[pl.ds(sid * ROWS_PER_TILE, ROWS_PER_TILE)],
                    out_hbm.at[cid, pl.ds(sid * ROWS_PER_TILE, ROWS_PER_TILE)])


def _dis_block(degp, i):
    deg = degp[0, :, 0:1] + degp[1, :, 0:1]
    dis = lax.rsqrt(1.0 + deg)
    rows = lax.broadcasted_iota(jnp.int32, (BLK, 1), 0) + i * BLK
    return dis, rows < N


def _stage1_body(x_ref, w_ref, degp_ref, o_ref):
    i = pl.program_id(0)
    dis, valid = _dis_block(degp_ref, i)
    y = jnp.dot(x_ref[...], w_ref[...], preferred_element_type=jnp.float32)
    o_ref[...] = jnp.where(valid, y * dis, 0.0)


def _stage2_body(g_ref, t1_ref, degp_ref, b_ref, o_ref):
    i = pl.program_id(0)
    dis, valid = _dis_block(degp_ref, i)
    s = (g_ref[0] + g_ref[1] + t1_ref[...]) * dis + b_ref[...]
    h = jnp.maximum(s, 0.0)
    o_ref[...] = jnp.where(valid, h * dis, 0.0)


def _stage3_body(g_ref, t2_ref, degp_ref, w_ref, b_ref, o_ref):
    i = pl.program_id(0)
    dis, _ = _dis_block(degp_ref, i)
    p = (g_ref[0] + g_ref[1] + t2_ref[...]) * dis
    o_ref[...] = jnp.dot(p, w_ref[...], preferred_element_type=jnp.float32) + b_ref[...]


_row_spec = pl.BlockSpec((BLK, D), lambda i: (i, 0))
_deg_spec = pl.BlockSpec((2, BLK, 16), lambda i: (0, i, 0))
_g_spec = pl.BlockSpec((2, BLK, D), lambda i: (0, i, 0))
_w_spec = pl.BlockSpec((D, D), lambda i: (0, 0))
_b_spec = pl.BlockSpec((1, D), lambda i: (0, 0))
_out = jax.ShapeDtypeStruct((N_PAD, D), jnp.float32)

_stage1 = pl.pallas_call(
    _stage1_body, grid=(GRID,), out_shape=_out,
    in_specs=[_row_spec, _w_spec, _deg_spec], out_specs=_row_spec)
_stage2 = pl.pallas_call(
    _stage2_body, grid=(GRID,), out_shape=_out,
    in_specs=[_g_spec, _row_spec, _deg_spec, _b_spec], out_specs=_row_spec)
_stage3 = pl.pallas_call(
    _stage3_body, grid=(GRID,), out_shape=_out,
    in_specs=[_g_spec, _row_spec, _deg_spec, _w_spec, _b_spec], out_specs=_row_spec)


def kernel(x, edge_index, W1, b1, W_mu, b_mu, W_ls, b_ls):
    E = edge_index.shape[1]
    src = edge_index[0].astype(jnp.int32)
    dst = edge_index[1].astype(jnp.int32)
    pad = jnp.full((E_PAD - E,), N, dtype=jnp.int32)
    srcp = jnp.concatenate([src, pad]).reshape(TILES, CPT, CHUNK)
    dstp = jnp.concatenate([dst, pad]).reshape(TILES, CPT, CHUNK)
    x_pad = jnp.pad(x, ((0, N_PAD - N), (0, 0)))

    degp = _deg_kernel(dstp)
    t1 = _stage1(x_pad, W1, degp)
    g1 = _prop_kernel(t1, srcp, dstp)
    t2 = _stage2(g1, t1, degp, b1.reshape(1, D))
    g2 = _prop_kernel(t2, srcp, dstp)
    wcat = jnp.concatenate([W_mu, W_ls], axis=1)
    bcat = jnp.concatenate([b_mu, b_ls]).reshape(1, D)
    out = _stage3(g2, t2, degp, wcat, bcat)
    return out[:N, :64], out[:N, 64:]

# --- scband reference (transcript-rebuilt; emitter-appended) ---
"""Pipeline reference for scband-variational-encoder-60593398612125 (READ-ONLY COPY).

The authoritative reference and input builder live on the scoring server;
editing this copy changes nothing except your own understanding.
"""

import jax, jax.numpy as jnp
import numpy as np

N = 10000
E = 320000
D_IN = 128
D_HID = 128  # 2 * out_channels
D_OUT = 64


def setup_inputs(seed: int = 0) -> dict:
    key = jax.random.key(seed)
    ks = jax.random.split(key, 8)
    x = jax.random.normal(ks[0], (N, D_IN), dtype=jnp.float32)
    edge_index = jax.random.randint(ks[1], (2, E), 0, N)
    # GCNConv weights (glorot-ish scale) and biases
    W1 = jax.random.normal(ks[2], (D_IN, D_HID), dtype=jnp.float32) * (1.0 / np.sqrt(D_IN))
    b1 = jnp.zeros((D_HID,), dtype=jnp.float32)
    W_mu = jax.random.normal(ks[3], (D_HID, D_OUT), dtype=jnp.float32) * (1.0 / np.sqrt(D_HID))
    b_mu = jnp.zeros((D_OUT,), dtype=jnp.float32)
    W_ls = jax.random.normal(ks[4], (D_HID, D_OUT), dtype=jnp.float32) * (1.0 / np.sqrt(D_HID))
    b_ls = jnp.zeros((D_OUT,), dtype=jnp.float32)
    return {"x": x, "edge_index": edge_index, "W1": W1, "b1": b1,
            "W_mu": W_mu, "b_mu": b_mu, "W_ls": W_ls, "b_ls": b_ls}


def _gcn_norm(edge_index, n, dtype):
    # add self loops, symmetric normalization (PyG gcn_norm default)
    loop = jnp.arange(n, dtype=edge_index.dtype)
    src = jnp.concatenate([edge_index[0], loop])
    dst = jnp.concatenate([edge_index[1], loop])
    deg = jnp.zeros((n,), dtype=dtype).at[dst].add(jnp.ones((src.shape[0],), dtype=dtype))
    dis = jnp.where(deg > 0, jax.lax.rsqrt(jnp.maximum(deg, 1e-12)), 0.0)
    norm = dis[src] * dis[dst]
    return src, dst, norm


def _gcn_conv(h, src, dst, norm, W, b, n):
    h = h @ W
    msg = h[src] * norm[:, None]
    out = jnp.zeros((n, W.shape[1]), dtype=h.dtype).at[dst].add(msg)
    return out + b


def reference(x, edge_index, W1, b1, W_mu, b_mu, W_ls, b_ls):
    n = x.shape[0]
    src, dst, norm = _gcn_norm(edge_index, n, x.dtype)
    h = jax.nn.relu(_gcn_conv(x, src, dst, norm, W1, b1, n))
    mu = _gcn_conv(h, src, dst, norm, W_mu, b_mu, n)
    logstd = _gcn_conv(h, src, dst, norm, W_ls, b_ls, n)
    return (mu, logstd)

if __name__ == "__main__":
    import jax
    _d = setup_inputs()
    print(jax.jit(kernel)(*tuple(_d.values())))

</pallas_src>

<mosaic_0001>
#map = affine_map<(d0, d1) -> (0, 0)>
#map1 = affine_map<(d0, d1) -> (0, 0, 0)>
module attributes {stable_mosaic.version = 14 : i64} {
  func.func @_prop_kernel(%arg0: i32, %arg1: i32, %arg2: memref<10240x128xf32, #tpu.memory_space<hbm>>, %arg3: memref<32x80x128xi32, #tpu.memory_space<hbm>>, %arg4: memref<32x80x128xi32, #tpu.memory_space<hbm>>, %arg5: memref<2x10240x128xf32, #tpu.memory_space<hbm>>, %arg6: memref<128xi32, #tpu.memory_space<vmem>>, %arg7: memref<128xi32, #tpu.memory_space<vmem>>, %arg8: memref<128xi32, #tpu.memory_space<vmem>>, %arg9: memref<128xi32, #tpu.memory_space<vmem>>, %arg10: memref<128x128xf32, #tpu.memory_space<vmem>>, %arg11: memref<128x128xf32, #tpu.memory_space<vmem>>, %arg12: memref<10240x128xf32, #tpu.memory_space<vmem_shared>>, %arg13: memref<!tpu.dma_semaphore, #tpu.memory_space<semaphore_mem>>, %arg14: memref<!tpu.dma_semaphore, #tpu.memory_space<semaphore_mem>>, %arg15: memref<!tpu.dma_semaphore, #tpu.memory_space<semaphore_mem>>, %arg16: memref<!tpu.dma_semaphore, #tpu.memory_space<semaphore_mem>>) attributes {dimension_semantics = [#tpu.dimension_semantics<core_parallel>, #tpu.dimension_semantics<subcore_parallel>], iteration_bounds = array<i64: 2, 16>, scalar_prefetch = 0 : i64, scratch_operands = 11 : i64, tpu.core_type = #tpu.core_type<sc_vector_subcore>, window_params = [{transform_indices = #map}, {transform_indices = #map1}, {transform_indices = #map1}, {transform_indices = #map1}]} {
    %mul3A = arith.constant 16 : i32
    %mul3A_0 = arith.muli %arg0, %mul3A : i32
    %add3A = arith.addi %mul3A_0, %arg1 : i32
    %scan3A = arith.constant 0 : i32
    %scan3A_1 = arith.constant 0 : i32
    %scan3A_2 = arith.constant 128 : i32
    %scan3A_3 = arith.addi %scan3A_1, %scan3A_2 : i32
    %scan3A_4 = arith.constant 1 : i32
    %scan3A_5 = scf.for %scan3A_39 = %scan3A_1 to %scan3A_3 step %scan3A_4 iter_args(%scan3A_40 = %scan3A) -> (i32)  : i32 {
      %broadcast_in_dim3A = arith.constant 0.000000e+00 : f32
      %broadcast_in_dim3A_41 = vector.broadcast %broadcast_in_dim3A : f32 to vector<16xf32>
      %swap3A = arith.index_cast %scan3A_39 : i32 to index
      %swap3A_42 = arith.constant 0 : index
      %swap3A_43 = tpu.vector_load %arg10[%swap3A, %swap3A_42] {strides = array<i32>} : memref<128x128xf32, #tpu.memory_space<vmem>>, vector<1x16xf32>,
      %swap3A_44 = vector.shape_cast %swap3A_43 : vector<1x16xf32> to vector<16xf32>
      %swap3A_45 = vector.shape_cast %broadcast_in_dim3A_41 : vector<16xf32> to vector<1x16xf32>
      tpu.vector_store %arg10[%swap3A, %swap3A_42], %swap3A_45 {strides = array<i32>} : memref<128x128xf32, #tpu.memory_space<vmem>>, vector<1x16xf32>,
      %broadcast_in_dim3A_46 = arith.constant 0.000000e+00 : f32
      %broadcast_in_dim3A_47 = vector.broadcast %broadcast_in_dim3A_46 : f32 to vector<16xf32>
      %swap3A_48 = arith.index_cast %scan3A_39 : i32 to index
      %swap3A_49 = arith.constant 16 : index
      %swap3A_50 = tpu.vector_load %arg10[%swap3A_48, %swap3A_49] {strides = array<i32>} : memref<128x128xf32, #tpu.memory_space<vmem>>, vector<1x16xf32>,
      %swap3A_51 = vector.shape_cast %swap3A_50 : vector<1x16xf32> to vector<16xf32>
      %swap3A_52 = vector.shape_cast %broadcast_in_dim3A_47 : vector<16xf32> to vector<1x16xf32>
      tpu.vector_store %arg10[%swap3A_48, %swap3A_49], %swap3A_52 {strides = array<i32>} : memref<128x128xf32, #tpu.memory_space<vmem>>, vector<1x16xf32>,
      %broadcast_in_dim3A_53 = arith.constant 0.000000e+00 : f32
      %broadcast_in_dim3A_54 = vector.broadcast %broadcast_in_dim3A_53 : f32 to vector<16xf32>
      %swap3A_55 = arith.index_cast %scan3A_39 : i32 to index
      %swap3A_56 = arith.constant 32 : index
      %swap3A_57 = tpu.vector_load %arg10[%swap3A_55, %swap3A_56] {strides = array<i32>} : memref<128x128xf32, #tpu.memory_space<vmem>>, vector<1x16xf32>,
      %swap3A_58 = vector.shape_cast %swap3A_57 : vector<1x16xf32> to vector<16xf32>
      %swap3A_59 = vector.shape_cast %broadcast_in_dim3A_54 : vector<16xf32> to vector<1x16xf32>
      tpu.vector_store %arg10[%swap3A_55, %swap3A_56], %swap3A_59 {strides = array<i32>} : memref<128x128xf32, #tpu.memory_space<vmem>>, vector<1x16xf32>,
      %broadcast_in_dim3A_60 = arith.constant 0.000000e+00 : f32
      %broadcast_in_dim3A_61 = vector.broadcast %broadcast_in_dim3A_60 : f32 to vector<16xf32>
      %swap3A_62 = arith.index_cast %scan3A_39 : i32 to index
      %swap3A_63 = arith.constant 48 : index
      %swap3A_64 = tpu.vector_load %arg10[%swap3A_62, %swap3A_63] {strides = array<i32>} : memref<128x128xf32, #tpu.memory_space<vmem>>, vector<1x16xf32>,
      %swap3A_65 = vector.shape_cast %swap3A_64 : vector<1x16xf32> to vector<16xf32>
      %swap3A_66 = vector.shape_cast %broadcast_in_dim3A_61 : vector<16xf32> to vector<1x16xf32>
      tpu.vector_store %arg10[%swap3A_62, %swap3A_63], %swap3A_66 {strides = array<i32>} : memref<128x128xf32, #tpu.memory_space<vmem>>, vector<1x16xf32>,
      %broadcast_in_dim3A_67 = arith.constant 0.000000e+00 : f32
      %broadcast_in_dim3A_68 = vector.broadcast %broadcast_in_dim3A_67 : f32 to vector<16xf32>
      %swap3A_69 = arith.index_cast %scan3A_39 : i32 to index
      %swap3A_70 = arith.constant 64 : index
      %swap3A_71 = tpu.vector_load %arg10[%swap3A_69, %swap3A_70] {strides = array<i32>} : memref<128x128xf32, #tpu.memory_space<vmem>>, vector<1x16xf32>,
      %swap3A_72 = vector.shape_cast %swap3A_71 : vector<1x16xf32> to vector<16xf32>
      %swap3A_73 = vector.shape_cast %broadcast_in_dim3A_68 : vector<16xf32> to vector<1x16xf32>
      tpu.vector_store %arg10[%swap3A_69, %swap3A_70], %swap3A_73 {strides = array<i32>} : memref<128x128xf32, #tpu.memory_space<vmem>>, vector<1x16xf32>,
      %broadcast_in_dim3A_74 = arith.constant 0.000000e+00 : f32
      %broadcast_in_dim3A_75 = vector.broadcast %broadcast_in_dim3A_74 : f32 to vector<16xf32>
      %swap3A_76 = arith.index_cast %scan3A_39 : i32 to index
      %swap3A_77 = arith.constant 80 : index
      %swap3A_78 = tpu.vector_load %arg10[%swap3A_76, %swap3A_77] {strides = array<i32>} : memref<128x128xf32, #tpu.memory_space<vmem>>, vector<1x16xf32>,
      %swap3A_79 = vector.shape_cast %swap3A_78 : vector<1x16xf32> to vector<16xf32>
      %swap3A_80 = vector.shape_cast %broadcast_in_dim3A_75 : vector<16xf32> to vector<1x16xf32>
      tpu.vector_store %arg10[%swap3A_76, %swap3A_77], %swap3A_80 {strides = array<i32>} : memref<128x128xf32, #tpu.memory_space<vmem>>, vector<1x16xf32>,
      %broadcast_in_dim3A_81 = arith.constant 0.000000e+00 : f32
      %broadcast_in_dim3A_82 = vector.broadcast %broadcast_in_dim3A_81 : f32 to vector<16xf32>
      %swap3A_83 = arith.index_cast %scan3A_39 : i32 to index
      %swap3A_84 = arith.constant 96 : index
      %swap3A_85 = tpu.vector_load %arg10[%swap3A_83, %swap3A_84] {strides = array<i32>} : memref<128x128xf32, #tpu.memory_space<vmem>>, vector<1x16xf32>,
      %swap3A_86 = vector.shape_cast %swap3A_85 : vector<1x16xf32> to vector<16xf32>
      %swap3A_87 = vector.shape_cast %broadcast_in_dim3A_82 : vector<16xf32> to vector<1x16xf32>
      tpu.vector_store %arg10[%swap3A_83, %swap3A_84], %swap3A_87 {strides = array<i32>} : memref<128x128xf32, #tpu.memory_space<vmem>>, vector<1x16xf32>,
      %broadcast_in_dim3A_88 = arith.constant 0.000000e+00 : f32
      %broadcast_in_dim3A_89 = vector.broadcast %broadcast_in_dim3A_88 : f32 to vector<16xf32>
      %swap3A_90 = arith.index_cast %scan3A_39 : i32 to index
      %swap3A_91 = arith.constant 112 : index
      %swap3A_92 = tpu.vector_load %arg10[%swap3A_90, %swap3A_91] {strides = array<i32>} : memref<128x128xf32, #tpu.memory_space<vmem>>, vector<1x16xf32>,
      %swap3A_93 = vector.shape_cast %swap3A_92 : vector<1x16xf32> to vector<16xf32>
      %swap3A_94 = vector.shape_cast %broadcast_in_dim3A_89 : vector<16xf32> to vector<1x16xf32>
      tpu.vector_store %arg10[%swap3A_90, %swap3A_91], %swap3A_94 {strides = array<i32>} : memref<128x128xf32, #tpu.memory_space<vmem>>, vector<1x16xf32>,
      %scan3A_95 = arith.constant 0 : i32
      scf.yield %scan3A_95 : i32
    }
    %scan3A_6 = arith.constant 128 : i32
    %mul3A_7 = arith.constant 640 : i32
    %mul3A_8 = arith.muli %arg1, %mul3A_7 : i32
    %add3A_9 = arith.constant 0 : i32
    %add3A_10 = arith.addi %mul3A_8, %add3A_9 : i32
    "tpu.region"() ({
      %run_scoped3A = tpu.sem_alloc : memref<!tpu.dma_semaphore, #tpu.memory_space<semaphore_mem>>
      %dma_start3A = arith.constant 0 : i32
      %dma_start3A_39 = tpu.memref_slice %arg12[%add3A_10, %dma_start3A] : memref<10240x128xf32, #tpu.memory_space<vmem_shared>> -> memref<128x128xf32, #tpu.memory_space<vmem_shared>>
      %dma_start3A_40 = arith.constant 0 : i32
      %dma_start3A_41 = tpu.memref_slice %arg12[%add3A_10, %dma_start3A_40] : memref<10240x128xf32, #tpu.memory_space<vmem_shared>> -> memref<128x128xf32, #tpu.memory_space<vmem_shared>>
      tpu.enqueue_dma source(%arg10 : memref<128x128xf32, #tpu.memory_space<vmem>>) target(%dma_start3A_41 : memref<128x128xf32, #tpu.memory_space<vmem_shared>>) target_semaphore(%run_scoped3A : memref<!tpu.dma_semaphore, #tpu.memory_space<semaphore_mem>>)
      %dma_wait3A = arith.constant 0 : i32
      %dma_wait3A_42 = tpu.memref_slice %arg12[%add3A_10, %dma_wait3A] : memref<10240x128xf32, #tpu.memory_space<vmem_shared>> -> memref<128x128xf32, #tpu.memory_space<vmem_shared>>
      %dma_wait3A_43 = arith.constant 0 : i32
      %dma_wait3A_44 = tpu.memref_slice %arg12[%add3A_10, %dma_wait3A_43] : memref<10240x128xf32, #tpu.memory_space<vmem_shared>> -> memref<128x128xf32, #tpu.memory_space<vmem_shared>>
      tpu.wait_dma2 semaphore(%run_scoped3A : memref<!tpu.dma_semaphore, #tpu.memory_space<semaphore_mem>>) src(%arg10 : memref<128x128xf32, #tpu.memory_space<vmem>>) dst(%dma_wait3A_44 : memref<128x128xf32, #tpu.memory_space<vmem_shared>>)
      tpu.yield
    }) : () -> ()
    %mul3A_11 = arith.constant 640 : i32
    %mul3A_12 = arith.muli %arg1, %mul3A_11 : i32
    %add3A_13 = arith.constant 128 : i32
    %add3A_14 = arith.addi %mul3A_12, %add3A_13 : i32
    "tpu.region"() ({
      %run_scoped3A = tpu.sem_alloc : memref<!tpu.dma_semaphore, #tpu.memory_space<semaphore_mem>>
      %dma_start3A = arith.constant 0 : i32
      %dma_start3A_39 = tpu.memref_slice %arg12[%add3A_14, %dma_start3A] : memref<10240x128xf32, #tpu.memory_space<vmem_shared>> -> memref<128x128xf32, #tpu.memory_space<vmem_shared>>
      %dma_start3A_40 = arith.constant 0 : i32
      %dma_start3A_41 = tpu.memref_slice %arg12[%add3A_14, %dma_start3A_40] : memref<10240x128xf32, #tpu.memory_space<vmem_shared>> -> memref<128x128xf32, #tpu.memory_space<vmem_shared>>
      tpu.enqueue_dma source(%arg10 : memref<128x128xf32, #tpu.memory_space<vmem>>) target(%dma_start3A_41 : memref<128x128xf32, #tpu.memory_space<vmem_shared>>) target_semaphore(%run_scoped3A : memref<!tpu.dma_semaphore, #tpu.memory_space<semaphore_mem>>)
      %dma_wait3A = arith.constant 0 : i32
      %dma_wait3A_42 = tpu.memref_slice %arg12[%add3A_14, %dma_wait3A] : memref<10240x128xf32, #tpu.memory_space<vmem_shared>> -> memref<128x128xf32, #tpu.memory_space<vmem_shared>>
      %dma_wait3A_43 = arith.constant 0 : i32
      %dma_wait3A_44 = tpu.memref_slice %arg12[%add3A_14, %dma_wait3A_43] : memref<10240x128xf32, #tpu.memory_space<vmem_shared>> -> memref<128x128xf32, #tpu.memory_space<vmem_shared>>
      tpu.wait_dma2 semaphore(%run_scoped3A : memref<!tpu.dma_semaphore, #tpu.memory_space<semaphore_mem>>) src(%arg10 : memref<128x128xf32, #tpu.memory_space<vmem>>) dst(%dma_wait3A_44 : memref<128x128xf32, #tpu.memory_space<vmem_shared>>)
      tpu.yield
    }) : () -> ()
    %mul3A_15 = arith.constant 640 : i32
    %mul3A_16 = arith.muli %arg1, %mul3A_15 : i32
    %add3A_17 = arith.constant 256 : i32
    %add3A_18 = arith.addi %mul3A_16, %add3A_17 : i32
    "tpu.region"() ({
      %run_scoped3A = tpu.sem_alloc : memref<!tpu.dma_semaphore, #tpu.memory_space<semaphore_mem>>
      %dma_start3A = arith.constant 0 : i32
      %dma_start3A_39 = tpu.memref_slice %arg12[%add3A_18, %dma_start3A] : memref<10240x128xf32, #tpu.memory_space<vmem_shared>> -> memref<128x128xf32, #tpu.memory_space<vmem_shared>>
      %dma_start3A_40 = arith.constant 0 : i32
      %dma_start3A_41 = tpu.memref_slice %arg12[%add3A_18, %dma_start3A_40] : memref<10240x128xf32, #tpu.memory_space<vmem_shared>> -> memref<128x128xf32, #tpu.memory_space<vmem_shared>>
      tpu.enqueue_dma source(%arg10 : memref<128x128xf32, #tpu.memory_space<vmem>>) target(%dma_start3A_41 : memref<128x128xf32, #tpu.memory_space<vmem_shared>>) target_semaphore(%run_scoped3A : memref<!tpu.dma_semaphore, #tpu.memory_space<semaphore_mem>>)
      %dma_wait3A = arith.constant 0 : i32
      %dma_wait3A_42 = tpu.memref_slice %arg12[%add3A_18, %dma_wait3A] : memref<10240x128xf32, #tpu.memory_space<vmem_shared>> -> memref<128x128xf32, #tpu.memory_space<vmem_shared>>
      %dma_wait3A_43 = arith.constant 0 : i32
      %dma_wait3A_44 = tpu.memref_slice %arg12[%add3A_18, %dma_wait3A_43] : memref<10240x128xf32, #tpu.memory_space<vmem_shared>> -> memref<128x128xf32, #tpu.memory_space<vmem_shared>>
      tpu.wait_dma2 semaphore(%run_scoped3A : memref<!tpu.dma_semaphore, #tpu.memory_space<semaphore_mem>>) src(%arg10 : memref<128x128xf32, #tpu.memory_space<vmem>>) dst(%dma_wait3A_44 : memref<128x128xf32, #tpu.memory_space<vmem_shared>>)
      tpu.yield
    }) : () -> ()
    %mul3A_19 = arith.constant 640 : i32
    %mul3A_20 = arith.muli %arg1, %mul3A_19 : i32
    %add3A_21 = arith.constant 384 : i32
    %add3A_22 = arith.addi %mul3A_20, %add3A_21 : i32
    "tpu.region"() ({
      %run_scoped3A = tpu.sem_alloc : memref<!tpu.dma_semaphore, #tpu.memory_space<semaphore_mem>>
      %dma_start3A = arith.constant 0 : i32
      %dma_start3A_39 = tpu.memref_slice %arg12[%add3A_22, %dma_start3A] : memref<10240x128xf32, #tpu.memory_space<vmem_shared>> -> memref<128x128xf32, #tpu.memory_space<vmem_shared>>
      %dma_start3A_40 = arith.constant 0 : i32
      %dma_start3A_41 = tpu.memref_slice %arg12[%add3A_22, %dma_start3A_40] : memref<10240x128xf32, #tpu.memory_space<vmem_shared>> -> memref<128x128xf32, #tpu.memory_space<vmem_shared>>
      tpu.enqueue_dma source(%arg10 : memref<128x128xf32, #tpu.memory_space<vmem>>) target(%dma_start3A_41 : memref<128x128xf32, #tpu.memory_space<vmem_shared>>) target_semaphore(%run_scoped3A : memref<!tpu.dma_semaphore, #tpu.memory_space<semaphore_mem>>)
      %dma_wait3A = arith.constant 0 : i32
      %dma_wait3A_42 = tpu.memref_slice %arg12[%add3A_22, %dma_wait3A] : memref<10240x128xf32, #tpu.memory_space<vmem_shared>> -> memref<128x128xf32, #tpu.memory_space<vmem_shared>>
      %dma_wait3A_43 = arith.constant 0 : i32
      %dma_wait3A_44 = tpu.memref_slice %arg12[%add3A_22, %dma_wait3A_43] : memref<10240x128xf32, #tpu.memory_space<vmem_shared>> -> memref<128x128xf32, #tpu.memory_space<vmem_shared>>
      tpu.wait_dma2 semaphore(%run_scoped3A : memref<!tpu.dma_semaphore, #tpu.memory_space<semaphore_mem>>) src(%arg10 : memref<128x128xf32, #tpu.memory_space<vmem>>) dst(%dma_wait3A_44 : memref<128x128xf32, #tpu.memory_space<vmem_shared>>)
      tpu.yield
    }) : () -> ()
    %mul3A_23 = arith.constant 640 : i32
    %mul3A_24 = arith.muli %arg1, %mul3A_23 : i32
    %add3A_25 = arith.constant 512 : i32
    %add3A_26 = arith.addi %mul3A_24, %add3A_25 : i32
    "tpu.region"() ({
      %run_scoped3A = tpu.sem_alloc : memref<!tpu.dma_semaphore, #tpu.memory_space<semaphore_mem>>
      %dma_start3A = arith.constant 0 : i32
      %dma_start3A_39 = tpu.memref_slice %arg12[%add3A_26, %dma_start3A] : memref<10240x128xf32, #tpu.memory_space<vmem_shared>> -> memref<128x128xf32, #tpu.memory_space<vmem_shared>>
      %dma_start3A_40 = arith.constant 0 : i32
      %dma_start3A_41 = tpu.memref_slice %arg12[%add3A_26, %dma_start3A_40] : memref<10240x128xf32, #tpu.memory_space<vmem_shared>> -> memref<128x128xf32, #tpu.memory_space<vmem_shared>>
      tpu.enqueue_dma source(%arg10 : memref<128x128xf32, #tpu.memory_space<vmem>>) target(%dma_start3A_41 : memref<128x128xf32, #tpu.memory_space<vmem_shared>>) target_semaphore(%run_scoped3A : memref<!tpu.dma_semaphore, #tpu.memory_space<semaphore_mem>>)
      %dma_wait3A = arith.constant 0 : i32
      %dma_wait3A_42 = tpu.memref_slice %arg12[%add3A_26, %dma_wait3A] : memref<10240x128xf32, #tpu.memory_space<vmem_shared>> -> memref<128x128xf32, #tpu.memory_space<vmem_shared>>
      %dma_wait3A_43 = arith.constant 0 : i32
      %dma_wait3A_44 = tpu.memref_slice %arg12[%add3A_26, %dma_wait3A_43] : memref<10240x128xf32, #tpu.memory_space<vmem_shared>> -> memref<128x128xf32, #tpu.memory_space<vmem_shared>>
      tpu.wait_dma2 semaphore(%run_scoped3A : memref<!tpu.dma_semaphore, #tpu.memory_space<semaphore_mem>>) src(%arg10 : memref<128x128xf32, #tpu.memory_space<vmem>>) dst(%dma_wait3A_44 : memref<128x128xf32, #tpu.memory_space<vmem_shared>>)
      tpu.yield
    }) : () -> ()
    %barrier3A = arith.constant 0 : index
    tpu.barrier barrier_id(%barrier3A)
    %scan3A_27 = arith.constant 0 : i32
    %scan3A_28 = arith.constant 0 : i32
    %scan3A_29 = arith.constant 40 : i32
    %scan3A_30 = arith.addi %scan3A_28, %scan3A_29 : i32
    %scan3A_31 = arith.constant 1 : i32
    %scan3A_32 = scf.for %scan3A_39 = %scan3A_28 to %scan3A_30 step %scan3A_31 iter_args(%scan3A_40 = %scan3A_27) -> (i32)  : i32 {
      %mul3A_41 = arith.constant 2 : i32
      %mul3A_42 = arith.muli %mul3A_41, %scan3A_39 : i32
      %dma_start3A = arith.constant 0 : i32
      %dma_start3A_43 = tpu.memref_slice %arg3[%add3A, %mul3A_42, %dma_start3A] : memref<32x80x128xi32, #tpu.memory_space<hbm>> -> memref<1x1x128xi32, #tpu.memory_space<hbm>>
      %dma_start3A_44 = tpu.memref_squeeze %dma_start3A_43 : memref<1x1x128xi32, #tpu.memory_space<hbm>> -> memref<128xi32, #tpu.memory_space<hbm>>
      %dma_start3A_45 = arith.constant 0 : i32
      %dma_start3A_46 = tpu.memref_slice %arg3[%add3A, %mul3A_42, %dma_start3A_45] : memref<32x80x128xi32, #tpu.memory_space<hbm>> -> memref<1x1x128xi32, #tpu.memory_space<hbm>>
      %dma_start3A_47 = tpu.memref_squeeze %dma_start3A_46 : memref<1x1x128xi32, #tpu.memory_space<hbm>> -> memref<128xi32, #tpu.memory_space<hbm>>
      tpu.enqueue_dma source(%dma_start3A_47 : memref<128xi32, #tpu.memory_space<hbm>>) target(%arg6 : memref<128xi32, #tpu.memory_space<vmem>>) target_semaphore(%arg15 : memref<!tpu.dma_semaphore, #tpu.memory_space<semaphore_mem>>)
      %add3A_48 = arith.constant 1 : i32
      %add3A_49 = arith.addi %mul3A_42, %add3A_48 : i32
      %dma_start3A_50 = arith.constant 0 : i32
      %dma_start3A_51 = tpu.memref_slice %arg3[%add3A, %add3A_49, %dma_start3A_50] : memref<32x80x128xi32, #tpu.memory_space<hbm>> -> memref<1x1x128xi32, #tpu.memory_space<hbm>>
      %dma_start3A_52 = tpu.memref_squeeze %dma_start3A_51 : memref<1x1x128xi32, #tpu.memory_space<hbm>> -> memref<128xi32, #tpu.memory_space<hbm>>
      %dma_start3A_53 = arith.constant 0 : i32
      %dma_start3A_54 = tpu.memref_slice %arg3[%add3A, %add3A_49, %dma_start3A_53] : memref<32x80x128xi32, #tpu.memory_space<hbm>> -> memref<1x1x128xi32, #tpu.memory_space<hbm>>
      %dma_start3A_55 = tpu.memref_squeeze %dma_start3A_54 : memref<1x1x128xi32, #tpu.memory_space<hbm>> -> memref<128xi32, #tpu.memory_space<hbm>>
      tpu.enqueue_dma source(%dma_start3A_55 : memref<128xi32, #tpu.memory_space<hbm>>) target(%arg7 : memref<128xi32, #tpu.memory_space<vmem>>) target_semaphore(%arg16 : memref<!tpu.dma_semaphore, #tpu.memory_space<semaphore_mem>>)
      "tpu.region"() ({
        %run_scoped3A = tpu.sem_alloc : memref<!tpu.dma_semaphore, #tpu.memory_space<semaphore_mem>>
        %dma_start3A_82 = arith.constant 0 : i32
        %dma_start3A_83 = tpu.memref_slice %arg4[%add3A, %mul3A_42, %dma_start3A_82] : memref<32x80x128xi32, #tpu.memory_space<hbm>> -> memref<1x1x128xi32, #tpu.memory_space<hbm>>
        %dma_start3A_84 = tpu.memref_squeeze %dma_start3A_83 : memref<1x1x128xi32, #tpu.memory_space<hbm>> -> memref<128xi32, #tpu.memory_space<hbm>>
        %dma_start3A_85 = arith.constant 0 : i32
        %dma_start3A_86 = tpu.memref_slice %arg4[%add3A, %mul3A_42, %dma_start3A_85] : memref<32x80x128xi32, #tpu.memory_space<hbm>> -> memref<1x1x128xi32, #tpu.memory_space<hbm>>
        %dma_start3A_87 = tpu.memref_squeeze %dma_start3A_86 : memref<1x1x128xi32, #tpu.memory_space<hbm>> -> memref<128xi32, #tpu.memory_space<hbm>>
        tpu.enqueue_dma source(%dma_start3A_87 : memref<128xi32, #tpu.memory_space<hbm>>) target(%arg8 : memref<128xi32, #tpu.memory_space<vmem>>) target_semaphore(%run_scoped3A : memref<!tpu.dma_semaphore, #tpu.memory_space<semaphore_mem>>)
        %dma_wait3A_88 = arith.constant 0 : i32
        %dma_wait3A_89 = tpu.memref_slice %arg4[%add3A, %mul3A_42, %dma_wait3A_88] : memref<32x80x128xi32, #tpu.memory_space<hbm>> -> memref<1x1x128xi32, #tpu.memory_space<hbm>>
        %dma_wait3A_90 = tpu.memref_squeeze %dma_wait3A_89 : memref<1x1x128xi32, #tpu.memory_space<hbm>> -> memref<128xi32, #tpu.memory_space<hbm>>
        %dma_wait3A_91 = arith.constant 0 : i32
        %dma_wait3A_92 = tpu.memref_slice %arg4[%add3A, %mul3A_42, %dma_wait3A_91] : memref<32x80x128xi32, #tpu.memory_space<hbm>> -> memref<1x1x128xi32, #tpu.memory_space<hbm>>
        %dma_wait3A_93 = tpu.memref_squeeze %dma_wait3A_92 : memref<1x1x128xi32, #tpu.memory_space<hbm>> -> memref<128xi32, #tpu.memory_space<hbm>>
        tpu.wait_dma2 semaphore(%run_scoped3A : memref<!tpu.dma_semaphore, #tpu.memory_space<semaphore_mem>>) src(%dma_wait3A_93 : memref<128xi32, #tpu.memory_space<hbm>>) dst(%arg8 : memref<128xi32, #tpu.memory_space<vmem>>)
        tpu.yield
      }) : () -> ()
      %add3A_56 = arith.constant 1 : i32
      %add3A_57 = arith.addi %mul3A_42, %add3A_56 : i32
      "tpu.region"() ({
        %run_scoped3A = tpu.sem_alloc : memref<!tpu.dma_semaphore, #tpu.memory_space<semaphore_mem>>
        %dma_start3A_82 = arith.constant 0 : i32
        %dma_start3A_83 = tpu.memref_slice %arg4[%add3A, %add3A_57, %dma_start3A_82] : memref<32x80x128xi32, #tpu.memory_space<hbm>> -> memref<1x1x128xi32, #tpu.memory_space<hbm>>
        %dma_start3A_84 = tpu.memref_squeeze %dma_start3A_83 : memref<1x1x128xi32, #tpu.memory_space<hbm>> -> memref<128xi32, #tpu.memory_space<hbm>>
        %dma_start3A_85 = arith.constant 0 : i32
        %dma_start3A_86 = tpu.memref_slice %arg4[%add3A, %add3A_57, %dma_start3A_85] : memref<32x80x128xi32, #tpu.memory_space<hbm>> -> memref<1x1x128xi32, #tpu.memory_space<hbm>>
        %dma_start3A_87 = tpu.memref_squeeze %dma_start3A_86 : memref<1x1x128xi32, #tpu.memory_space<hbm>> -> memref<128xi32, #tpu.memory_space<hbm>>
        tpu.enqueue_dma source(%dma_start3A_87 : memref<128xi32, #tpu.memory_space<hbm>>) target(%arg9 : memref<128xi32, #tpu.memory_space<vmem>>) target_semaphore(%run_scoped3A : memref<!tpu.dma_semaphore, #tpu.memory_space<semaphore_mem>>)
        %dma_wait3A_88 = arith.constant 0 : i32
        %dma_wait3A_89 = tpu.memref_slice %arg4[%add3A, %add3A_57, %dma_wait3A_88] : memref<32x80x128xi32, #tpu.memory_space<hbm>> -> memref<1x1x128xi32, #tpu.memory_space<hbm>>
        %dma_wait3A_90 = tpu.memref_squeeze %dma_wait3A_89 : memref<1x1x128xi32, #tpu.memory_space<hbm>> -> memref<128xi32, #tpu.memory_space<hbm>>
        %dma_wait3A_91 = arith.constant 0 : i32
        %dma_wait3A_92 = tpu.memref_slice %arg4[%add3A, %add3A_57, %dma_wait3A_91] : memref<32x80x128xi32, #tpu.memory_space<hbm>> -> memref<1x1x128xi32, #tpu.memory_space<hbm>>
        %dma_wait3A_93 = tpu.memref_squeeze %dma_wait3A_92 : memref<1x1x128xi32, #tpu.memory_space<hbm>> -> memref<128xi32, #tpu.memory_space<hbm>>
        tpu.wait_dma2 semaphore(%run_scoped3A : memref<!tpu.dma_semaphore, #tpu.memory_space<semaphore_mem>>) src(%dma_wait3A_93 : memref<128xi32, #tpu.memory_space<hbm>>) dst(%arg9 : memref<128xi32, #tpu.memory_space<vmem>>)
        tpu.yield
      }) : () -> ()
      %dma_wait3A = arith.constant 0 : i32
      %dma_wait3A_58 = tpu.memref_slice %arg3[%add3A, %mul3A_42, %dma_wait3A] : memref<32x80x128xi32, #tpu.memory_space<hbm>> -> memref<1x1x128xi32, #tpu.memory_space<hbm>>
      %dma_wait3A_59 = tpu.memref_squeeze %dma_wait3A_58 : memref<1x1x128xi32, #tpu.memory_space<hbm>> -> memref<128xi32, #tpu.memory_space<hbm>>
      %dma_wait3A_60 = arith.constant 0 : i32
      %dma_wait3A_61 = tpu.memref_slice %arg3[%add3A, %mul3A_42, %dma_wait3A_60] : memref<32x80x128xi32, #tpu.memory_space<hbm>> -> memref<1x1x128xi32, #tpu.memory_space<hbm>>
      %dma_wait3A_62 = tpu.memref_squeeze %dma_wait3A_61 : memref<1x1x128xi32, #tpu.memory_space<hbm>> -> memref<128xi32, #tpu.memory_space<hbm>>
      tpu.wait_dma2 semaphore(%arg15 : memref<!tpu.dma_semaphore, #tpu.memory_space<semaphore_mem>>) src(%dma_wait3A_62 : memref<128xi32, #tpu.memory_space<hbm>>) dst(%arg6 : memref<128xi32, #tpu.memory_space<vmem>>)
      %dma_start3A_63 = arith.constant 0 : i32
      %dma_start3A_64 = arith.constant 0 : i32
      %dma_start3A_65 = tpu.memref_slice %arg2[%dma_start3A_63, %dma_start3A_64] : memref<10240x128xf32, #tpu.memory_space<hbm>> -> memref<10240x128xf32, #tpu.memory_space<hbm>>
      tpu.enqueue_indirect_dma source(%dma_start3A_65 : memref<10240x128xf32, #tpu.memory_space<hbm>>) target(%arg10 : memref<128x128xf32, #tpu.memory_space<vmem>>) offsets(%arg6 : memref<128xi32, #tpu.memory_space<vmem>>) semaphore(%arg13 : memref<!tpu.dma_semaphore, #tpu.memory_space<semaphore_mem>>)
      %dma_wait3A_66 = arith.constant 0 : i32
      %dma_wait3A_67 = tpu.memref_slice %arg3[%add3A, %add3A_49, %dma_wait3A_66] : memref<32x80x128xi32, #tpu.memory_space<hbm>> -> memref<1x1x128xi32, #tpu.memory_space<hbm>>
      %dma_wait3A_68 = tpu.memref_squeeze %dma_wait3A_67 : memref<1x1x128xi32, #tpu.memory_space<hbm>> -> memref<128xi32, #tpu.memory_space<hbm>>
      %dma_wait3A_69 = arith.constant 0 : i32
      %dma_wait3A_70 = tpu.memref_slice %arg3[%add3A, %add3A_49, %dma_wait3A_69] : memref<32x80x128xi32, #tpu.memory_space<hbm>> -> memref<1x1x128xi32, #tpu.memory_space<hbm>>
      %dma_wait3A_71 = tpu.memref_squeeze %dma_wait3A_70 : memref<1x1x128xi32, #tpu.memory_space<hbm>> -> memref<128xi32, #tpu.memory_space<hbm>>
      tpu.wait_dma2 semaphore(%arg16 : memref<!tpu.dma_semaphore, #tpu.memory_space<semaphore_mem>>) src(%dma_wait3A_71 : memref<128xi32, #tpu.memory_space<hbm>>) dst(%arg7 : memref<128xi32, #tpu.memory_space<vmem>>)
      %dma_start3A_72 = arith.constant 0 : i32
      %dma_start3A_73 = arith.constant 0 : i32
      %dma_start3A_74 = tpu.memref_slice %arg2[%dma_start3A_72, %dma_start3A_73] : memref<10240x128xf32, #tpu.memory_space<hbm>> -> memref<10240x128xf32, #tpu.memory_space<hbm>>
      tpu.enqueue_indirect_dma source(%dma_start3A_74 : memref<10240x128xf32, #tpu.memory_space<hbm>>) target(%arg11 : memref<128x128xf32, #tpu.memory_space<vmem>>) offsets(%arg7 : memref<128xi32, #tpu.memory_space<vmem>>) semaphore(%arg14 : memref<!tpu.dma_semaphore, #tpu.memory_space<semaphore_mem>>)
      %dma_wait3A_75 = arith.constant 0 : i32
      %dma_wait3A_76 = arith.constant 0 : i32
      %dma_wait3A_77 = tpu.memref_slice %arg2[%dma_wait3A_75, %dma_wait3A_76] : memref<10240x128xf32, #tpu.memory_space<hbm>> -> memref<10240x128xf32, #tpu.memory_space<hbm>>
      tpu.wait_indirect_dma semaphore(%arg13 : memref<!tpu.dma_semaphore, #tpu.memory_space<semaphore_mem>>) src(%dma_wait3A_77 : memref<10240x128xf32, #tpu.memory_space<hbm>>) dst(%arg10 : memref<128x128xf32, #tpu.memory_space<vmem>>)
      "tpu.region"() ({
        %run_scoped3A = tpu.sem_alloc : memref<!tpu.dma_semaphore, #tpu.memory_space<semaphore_mem>>
        %dma_start3A_82 = arith.constant 0 : i32
        %dma_start3A_83 = arith.constant 0 : i32
        %dma_start3A_84 = tpu.memref_slice %arg12[%dma_start3A_82, %dma_start3A_83] : memref<10240x128xf32, #tpu.memory_space<vmem_shared>> -> memref<10240x128xf32, #tpu.memory_space<vmem_shared>>
        tpu.enqueue_indirect_dma source(%arg10 : memref<128x128xf32, #tpu.memory_space<vmem>>) target(%dma_start3A_84 : memref<10240x128xf32, #tpu.memory_space<vmem_shared>>) offsets(%arg8 : memref<128xi32, #tpu.memory_space<vmem>>) semaphore(%run_scoped3A : memref<!tpu.dma_semaphore, #tpu.memory_space<semaphore_mem>>) {add = true}
        %dma_wait3A_85 = arith.constant 0 : i32
        %dma_wait3A_86 = arith.constant 0 : i32
        %dma_wait3A_87 = tpu.memref_slice %arg12[%dma_wait3A_85, %dma_wait3A_86] : memref<10240x128xf32, #tpu.memory_space<vmem_shared>> -> memref<10240x128xf32, #tpu.memory_space<vmem_shared>>
        tpu.wait_indirect_dma semaphore(%run_scoped3A : memref<!tpu.dma_semaphore, #tpu.memory_space<semaphore_mem>>) src(%arg10 : memref<128x128xf32, #tpu.memory_space<vmem>>) dst(%dma_wait3A_87 : memref<10240x128xf32, #tpu.memory_space<vmem_shared>>)
        tpu.yield
      }) : () -> ()
      %dma_wait3A_78 = arith.constant 0 : i32
      %dma_wait3A_79 = arith.constant 0 : i32
      %dma_wait3A_80 = tpu.memref_slice %arg2[%dma_wait3A_78, %dma_wait3A_79] : memref<10240x128xf32, #tpu.memory_space<hbm>> -> memref<10240x128xf32, #tpu.memory_space<hbm>>
      tpu.wait_indirect_dma semaphore(%arg14 : memref<!tpu.dma_semaphore, #tpu.memory_space<semaphore_mem>>) src(%dma_wait3A_80 : memref<10240x128xf32, #tpu.memory_space<hbm>>) dst(%arg11 : memref<128x128xf32, #tpu.memory_space<vmem>>)
      "tpu.region"() ({
        %run_scoped3A = tpu.sem_alloc : memref<!tpu.dma_semaphore, #tpu.memory_space<semaphore_mem>>
        %dma_start3A_82 = arith.constant 0 : i32
        %dma_start3A_83 = arith.constant 0 : i32
        %dma_start3A_84 = tpu.memref_slice %arg12[%dma_start3A_82, %dma_start3A_83] : memref<10240x128xf32, #tpu.memory_space<vmem_shared>> -> memref<10240x128xf32, #tpu.memory_space<vmem_shared>>
        tpu.enqueue_indirect_dma source(%arg11 : memref<128x128xf32, #tpu.memory_space<vmem>>) target(%dma_start3A_84 : memref<10240x128xf32, #tpu.memory_space<vmem_shared>>) offsets(%arg9 : memref<128xi32, #tpu.memory_space<vmem>>) semaphore(%run_scoped3A : memref<!tpu.dma_semaphore, #tpu.memory_space<semaphore_mem>>) {add = true}
        %dma_wait3A_85 = arith.constant 0 : i32
        %dma_wait3A_86 = arith.constant 0 : i32
        %dma_wait3A_87 = tpu.memref_slice %arg12[%dma_wait3A_85, %dma_wait3A_86] : memref<10240x128xf32, #tpu.memory_space<vmem_shared>> -> memref<10240x128xf32, #tpu.memory_space<vmem_shared>>
        tpu.wait_indirect_dma semaphore(%run_scoped3A : memref<!tpu.dma_semaphore, #tpu.memory_space<semaphore_mem>>) src(%arg11 : memref<128x128xf32, #tpu.memory_space<vmem>>) dst(%dma_wait3A_87 : memref<10240x128xf32, #tpu.memory_space<vmem_shared>>)
        tpu.yield
      }) : () -> ()
      %scan3A_81 = arith.constant 0 : i32
      scf.yield %scan3A_81 : i32
    }
    %scan3A_33 = arith.constant 40 : i32
    %barrier3A_34 = arith.constant 0 : index
    tpu.barrier barrier_id(%barrier3A_34)
    %mul3A_35 = arith.constant 640 : i32
    %mul3A_36 = arith.muli %arg1, %mul3A_35 : i32
    %mul3A_37 = arith.constant 640 : i32
    %mul3A_38 = arith.muli %arg1, %mul3A_37 : i32
    "tpu.region"() ({
      %run_scoped3A = tpu.sem_alloc : memref<!tpu.dma_semaphore, #tpu.memory_space<semaphore_mem>>
      %dma_start3A = arith.constant 0 : i32
      %dma_start3A_39 = tpu.memref_slice %arg5[%arg0, %mul3A_38, %dma_start3A] : memref<2x10240x128xf32, #tpu.memory_space<hbm>> -> memref<1x640x128xf32, #tpu.memory_space<hbm>>
      %dma_start3A_40 = tpu.memref_squeeze %dma_start3A_39 : memref<1x640x128xf32, #tpu.memory_space<hbm>> -> memref<640x128xf32, #tpu.memory_space<hbm>>
      %dma_start3A_41 = arith.constant 0 : i32
      %dma_start3A_42 = tpu.memref_slice %arg12[%mul3A_36, %dma_start3A_41] : memref<10240x128xf32, #tpu.memory_space<vmem_shared>> -> memref<640x128xf32, #tpu.memory_space<vmem_shared>>
      tpu.enqueue_dma source(%dma_start3A_42 : memref<640x128xf32, #tpu.memory_space<vmem_shared>>) target(%dma_start3A_40 : memref<640x128xf32, #tpu.memory_space<hbm>>) target_semaphore(%run_scoped3A : memref<!tpu.dma_semaphore, #tpu.memory_space<semaphore_mem>>)
      %dma_wait3A = arith.constant 0 : i32
      %dma_wait3A_43 = tpu.memref_slice %arg5[%arg0, %mul3A_38, %dma_wait3A] : memref<2x10240x128xf32, #tpu.memory_space<hbm>> -> memref<1x640x128xf32, #tpu.memory_space<hbm>>
      %dma_wait3A_44 = tpu.memref_squeeze %dma_wait3A_43 : memref<1x640x128xf32, #tpu.memory_space<hbm>> -> memref<640x128xf32, #tpu.memory_space<hbm>>
      %dma_wait3A_45 = arith.constant 0 : i32
      %dma_wait3A_46 = tpu.memref_slice %arg12[%mul3A_36, %dma_wait3A_45] : memref<10240x128xf32, #tpu.memory_space<vmem_shared>> -> memref<640x128xf32, #tpu.memory_space<vmem_shared>>
      tpu.wait_dma2 semaphore(%run_scoped3A : memref<!tpu.dma_semaphore, #tpu.memory_space<semaphore_mem>>) src(%dma_wait3A_46 : memref<640x128xf32, #tpu.memory_space<vmem_shared>>) dst(%dma_wait3A_44 : memref<640x128xf32, #tpu.memory_space<hbm>>)
      tpu.yield
    }) : () -> ()
    return
  }
}

#map = affine_map<(d0, d1) -> (0, 0, 0)>
module attributes {stable_mosaic.version = 14 : i64} {
  func.func @_deg_kernel(%arg0: i32, %arg1: i32, %arg2: memref<32x80x128xi32, #tpu.memory_space<hbm>>, %arg3: memref<2x10240x16xf32, #tpu.memory_space<hbm>>, %arg4: memref<80x128xi32, #tpu.memory_space<vmem>>, %arg5: memref<128x16xf32, #tpu.memory_space<vmem>>, %arg6: memref<10240x16xf32, #tpu.memory_space<vmem_shared>>) attributes {dimension_semantics = [#tpu.dimension_semantics<core_parallel>, #tpu.dimension_semantics<subcore_parallel>], iteration_bounds = array<i64: 2, 16>, scalar_prefetch = 0 : i64, scratch_operands = 3 : i64, tpu.core_type = #tpu.core_type<sc_vector_subcore>, window_params = [{transform_indices = #map}, {transform_indices = #map}]} {
    %mul3A = arith.constant 16 : i32
    %mul3A_0 = arith.muli %arg0, %mul3A : i32
    %add3A = arith.addi %mul3A_0, %arg1 : i32
    %scan3A = arith.constant 0 : i32
    %scan3A_1 = arith.constant 0 : i32
    %scan3A_2 = arith.constant 128 : i32
    %scan3A_3 = arith.addi %scan3A_1, %scan3A_2 : i32
    %scan3A_4 = arith.constant 1 : i32
    %scan3A_5 = scf.for %scan3A_46 = %scan3A_1 to %scan3A_3 step %scan3A_4 iter_args(%scan3A_47 = %scan3A) -> (i32)  : i32 {
      %broadcast_in_dim3A = arith.constant 0.000000e+00 : f32
      %broadcast_in_dim3A_48 = vector.broadcast %broadcast_in_dim3A : f32 to vector<16xf32>
      %swap3A = arith.index_cast %scan3A_46 : i32 to index
      %swap3A_49 = arith.constant 0 : index
      %swap3A_50 = tpu.vector_load %arg5[%swap3A, %swap3A_49] {strides = array<i32>} : memref<128x16xf32, #tpu.memory_space<vmem>>, vector<1x16xf32>,
      %swap3A_51 = vector.shape_cast %swap3A_50 : vector<1x16xf32> to vector<16xf32>
      %swap3A_52 = vector.shape_cast %broadcast_in_dim3A_48 : vector<16xf32> to vector<1x16xf32>
      tpu.vector_store %arg5[%swap3A, %swap3A_49], %swap3A_52 {strides = array<i32>} : memref<128x16xf32, #tpu.memory_space<vmem>>, vector<1x16xf32>,
      %scan3A_53 = arith.constant 0 : i32
      scf.yield %scan3A_53 : i32
    }
    %scan3A_6 = arith.constant 128 : i32
    %mul3A_7 = arith.constant 640 : i32
    %mul3A_8 = arith.muli %arg1, %mul3A_7 : i32
    %add3A_9 = arith.constant 0 : i32
    %add3A_10 = arith.addi %mul3A_8, %add3A_9 : i32
    "tpu.region"() ({
      %run_scoped3A = tpu.sem_alloc : memref<!tpu.dma_semaphore, #tpu.memory_space<semaphore_mem>>
      %dma_start3A = arith.constant 0 : i32
      %dma_start3A_46 = tpu.memref_slice %arg6[%add3A_10, %dma_start3A] : memref<10240x16xf32, #tpu.memory_space<vmem_shared>> -> memref<128x16xf32, #tpu.memory_space<vmem_shared>>
      %dma_start3A_47 = arith.constant 0 : i32
      %dma_start3A_48 = tpu.memref_slice %arg6[%add3A_10, %dma_start3A_47] : memref<10240x16xf32, #tpu.memory_space<vmem_shared>> -> memref<128x16xf32, #tpu.memory_space<vmem_shared>>
      tpu.enqueue_dma source(%arg5 : memref<128x16xf32, #tpu.memory_space<vmem>>) target(%dma_start3A_48 : memref<128x16xf32, #tpu.memory_space<vmem_shared>>) target_semaphore(%run_scoped3A : memref<!tpu.dma_semaphore, #tpu.memory_space<semaphore_mem>>)
      %dma_wait3A = arith.constant 0 : i32
      %dma_wait3A_49 = tpu.memref_slice %arg6[%add3A_10, %dma_wait3A] : memref<10240x16xf32, #tpu.memory_space<vmem_shared>> -> memref<128x16xf32, #tpu.memory_space<vmem_shared>>
      %dma_wait3A_50 = arith.constant 0 : i32
      %dma_wait3A_51 = tpu.memref_slice %arg6[%add3A_10, %dma_wait3A_50] : memref<10240x16xf32, #tpu.memory_space<vmem_shared>> -> memref<128x16xf32, #tpu.memory_space<vmem_shared>>
      tpu.wait_dma2 semaphore(%run_scoped3A : memref<!tpu.dma_semaphore, #tpu.memory_space<semaphore_mem>>) src(%arg5 : memref<128x16xf32, #tpu.memory_space<vmem>>) dst(%dma_wait3A_51 : memref<128x16xf32, #tpu.memory_space<vmem_shared>>)
      tpu.yield
    }) : () -> ()
    %mul3A_11 = arith.constant 640 : i32
    %mul3A_12 = arith.muli %arg1, %mul3A_11 : i32
    %add3A_13 = arith.constant 128 : i32
    %add3A_14 = arith.addi %mul3A_12, %add3A_13 : i32
    "tpu.region"() ({
      %run_scoped3A = tpu.sem_alloc : memref<!tpu.dma_semaphore, #tpu.memory_space<semaphore_mem>>
      %dma_start3A = arith.constant 0 : i32
      %dma_start3A_46 = tpu.memref_slice %arg6[%add3A_14, %dma_start3A] : memref<10240x16xf32, #tpu.memory_space<vmem_shared>> -> memref<128x16xf32, #tpu.memory_space<vmem_shared>>
      %dma_start3A_47 = arith.constant 0 : i32
      %dma_start3A_48 = tpu.memref_slice %arg6[%add3A_14, %dma_start3A_47] : memref<10240x16xf32, #tpu.memory_space<vmem_shared>> -> memref<128x16xf32, #tpu.memory_space<vmem_shared>>
      tpu.enqueue_dma source(%arg5 : memref<128x16xf32, #tpu.memory_space<vmem>>) target(%dma_start3A_48 : memref<128x16xf32, #tpu.memory_space<vmem_shared>>) target_semaphore(%run_scoped3A : memref<!tpu.dma_semaphore, #tpu.memory_space<semaphore_mem>>)
      %dma_wait3A = arith.constant 0 : i32
      %dma_wait3A_49 = tpu.memref_slice %arg6[%add3A_14, %dma_wait3A] : memref<10240x16xf32, #tpu.memory_space<vmem_shared>> -> memref<128x16xf32, #tpu.memory_space<vmem_shared>>
      %dma_wait3A_50 = arith.constant 0 : i32
      %dma_wait3A_51 = tpu.memref_slice %arg6[%add3A_14, %dma_wait3A_50] : memref<10240x16xf32, #tpu.memory_space<vmem_shared>> -> memref<128x16xf32, #tpu.memory_space<vmem_shared>>
      tpu.wait_dma2 semaphore(%run_scoped3A : memref<!tpu.dma_semaphore, #tpu.memory_space<semaphore_mem>>) src(%arg5 : memref<128x16xf32, #tpu.memory_space<vmem>>) dst(%dma_wait3A_51 : memref<128x16xf32, #tpu.memory_space<vmem_shared>>)
      tpu.yield
    }) : () -> ()
    %mul3A_15 = arith.constant 640 : i32
    %mul3A_16 = arith.muli %arg1, %mul3A_15 : i32
    %add3A_17 = arith.constant 256 : i32
    %add3A_18 = arith.addi %mul3A_16, %add3A_17 : i32
    "tpu.region"() ({
      %run_scoped3A = tpu.sem_alloc : memref<!tpu.dma_semaphore, #tpu.memory_space<semaphore_mem>>
      %dma_start3A = arith.constant 0 : i32
      %dma_start3A_46 = tpu.memref_slice %arg6[%add3A_18, %dma_start3A] : memref<10240x16xf32, #tpu.memory_space<vmem_shared>> -> memref<128x16xf32, #tpu.memory_space<vmem_shared>>
      %dma_start3A_47 = arith.constant 0 : i32
      %dma_start3A_48 = tpu.memref_slice %arg6[%add3A_18, %dma_start3A_47] : memref<10240x16xf32, #tpu.memory_space<vmem_shared>> -> memref<128x16xf32, #tpu.memory_space<vmem_shared>>
      tpu.enqueue_dma source(%arg5 : memref<128x16xf32, #tpu.memory_space<vmem>>) target(%dma_start3A_48 : memref<128x16xf32, #tpu.memory_space<vmem_shared>>) target_semaphore(%run_scoped3A : memref<!tpu.dma_semaphore, #tpu.memory_space<semaphore_mem>>)
      %dma_wait3A = arith.constant 0 : i32
      %dma_wait3A_49 = tpu.memref_slice %arg6[%add3A_18, %dma_wait3A] : memref<10240x16xf32, #tpu.memory_space<vmem_shared>> -> memref<128x16xf32, #tpu.memory_space<vmem_shared>>
      %dma_wait3A_50 = arith.constant 0 : i32
      %dma_wait3A_51 = tpu.memref_slice %arg6[%add3A_18, %dma_wait3A_50] : memref<10240x16xf32, #tpu.memory_space<vmem_shared>> -> memref<128x16xf32, #tpu.memory_space<vmem_shared>>
      tpu.wait_dma2 semaphore(%run_scoped3A : memref<!tpu.dma_semaphore, #tpu.memory_space<semaphore_mem>>) src(%arg5 : memref<128x16xf32, #tpu.memory_space<vmem>>) dst(%dma_wait3A_51 : memref<128x16xf32, #tpu.memory_space<vmem_shared>>)
      tpu.yield
    }) : () -> ()
    %mul3A_19 = arith.constant 640 : i32
    %mul3A_20 = arith.muli %arg1, %mul3A_19 : i32
    %add3A_21 = arith.constant 384 : i32
    %add3A_22 = arith.addi %mul3A_20, %add3A_21 : i32
    "tpu.region"() ({
      %run_scoped3A = tpu.sem_alloc : memref<!tpu.dma_semaphore, #tpu.memory_space<semaphore_mem>>
      %dma_start3A = arith.constant 0 : i32
      %dma_start3A_46 = tpu.memref_slice %arg6[%add3A_22, %dma_start3A] : memref<10240x16xf32, #tpu.memory_space<vmem_shared>> -> memref<128x16xf32, #tpu.memory_space<vmem_shared>>
      %dma_start3A_47 = arith.constant 0 : i32
      %dma_start3A_48 = tpu.memref_slice %arg6[%add3A_22, %dma_start3A_47] : memref<10240x16xf32, #tpu.memory_space<vmem_shared>> -> memref<128x16xf32, #tpu.memory_space<vmem_shared>>
      tpu.enqueue_dma source(%arg5 : memref<128x16xf32, #tpu.memory_space<vmem>>) target(%dma_start3A_48 : memref<128x16xf32, #tpu.memory_space<vmem_shared>>) target_semaphore(%run_scoped3A : memref<!tpu.dma_semaphore, #tpu.memory_space<semaphore_mem>>)
      %dma_wait3A = arith.constant 0 : i32
      %dma_wait3A_49 = tpu.memref_slice %arg6[%add3A_22, %dma_wait3A] : memref<10240x16xf32, #tpu.memory_space<vmem_shared>> -> memref<128x16xf32, #tpu.memory_space<vmem_shared>>
      %dma_wait3A_50 = arith.constant 0 : i32
      %dma_wait3A_51 = tpu.memref_slice %arg6[%add3A_22, %dma_wait3A_50] : memref<10240x16xf32, #tpu.memory_space<vmem_shared>> -> memref<128x16xf32, #tpu.memory_space<vmem_shared>>
      tpu.wait_dma2 semaphore(%run_scoped3A : memref<!tpu.dma_semaphore, #tpu.memory_space<semaphore_mem>>) src(%arg5 : memref<128x16xf32, #tpu.memory_space<vmem>>) dst(%dma_wait3A_51 : memref<128x16xf32, #tpu.memory_space<vmem_shared>>)
      tpu.yield
    }) : () -> ()
    %mul3A_23 = arith.constant 640 : i32
    %mul3A_24 = arith.muli %arg1, %mul3A_23 : i32
    %add3A_25 = arith.constant 512 : i32
    %add3A_26 = arith.addi %mul3A_24, %add3A_25 : i32
    "tpu.region"() ({
      %run_scoped3A = tpu.sem_alloc : memref<!tpu.dma_semaphore, #tpu.memory_space<semaphore_mem>>
      %dma_start3A = arith.constant 0 : i32
      %dma_start3A_46 = tpu.memref_slice %arg6[%add3A_26, %dma_start3A] : memref<10240x16xf32, #tpu.memory_space<vmem_shared>> -> memref<128x16xf32, #tpu.memory_space<vmem_shared>>
      %dma_start3A_47 = arith.constant 0 : i32
      %dma_start3A_48 = tpu.memref_slice %arg6[%add3A_26, %dma_start3A_47] : memref<10240x16xf32, #tpu.memory_space<vmem_shared>> -> memref<128x16xf32, #tpu.memory_space<vmem_shared>>
      tpu.enqueue_dma source(%arg5 : memref<128x16xf32, #tpu.memory_space<vmem>>) target(%dma_start3A_48 : memref<128x16xf32, #tpu.memory_space<vmem_shared>>) target_semaphore(%run_scoped3A : memref<!tpu.dma_semaphore, #tpu.memory_space<semaphore_mem>>)
      %dma_wait3A = arith.constant 0 : i32
      %dma_wait3A_49 = tpu.memref_slice %arg6[%add3A_26, %dma_wait3A] : memref<10240x16xf32, #tpu.memory_space<vmem_shared>> -> memref<128x16xf32, #tpu.memory_space<vmem_shared>>
      %dma_wait3A_50 = arith.constant 0 : i32
      %dma_wait3A_51 = tpu.memref_slice %arg6[%add3A_26, %dma_wait3A_50] : memref<10240x16xf32, #tpu.memory_space<vmem_shared>> -> memref<128x16xf32, #tpu.memory_space<vmem_shared>>
      tpu.wait_dma2 semaphore(%run_scoped3A : memref<!tpu.dma_semaphore, #tpu.memory_space<semaphore_mem>>) src(%arg5 : memref<128x16xf32, #tpu.memory_space<vmem>>) dst(%dma_wait3A_51 : memref<128x16xf32, #tpu.memory_space<vmem_shared>>)
      tpu.yield
    }) : () -> ()
    %scan3A_27 = arith.constant 0 : i32
    %scan3A_28 = arith.constant 0 : i32
    %scan3A_29 = arith.constant 128 : i32
    %scan3A_30 = arith.addi %scan3A_28, %scan3A_29 : i32
    %scan3A_31 = arith.constant 1 : i32
    %scan3A_32 = scf.for %scan3A_46 = %scan3A_28 to %scan3A_30 step %scan3A_31 iter_args(%scan3A_47 = %scan3A_27) -> (i32)  : i32 {
      %broadcast_in_dim3A = arith.constant 1.000000e+00 : f32
      %broadcast_in_dim3A_48 = vector.broadcast %broadcast_in_dim3A : f32 to vector<16xf32>
      %swap3A = arith.index_cast %scan3A_46 : i32 to index
      %swap3A_49 = arith.constant 0 : index
      %swap3A_50 = tpu.vector_load %arg5[%swap3A, %swap3A_49] {strides = array<i32>} : memref<128x16xf32, #tpu.memory_space<vmem>>, vector<1x16xf32>,
      %swap3A_51 = vector.shape_cast %swap3A_50 : vector<1x16xf32> to vector<16xf32>
      %swap3A_52 = vector.shape_cast %broadcast_in_dim3A_48 : vector<16xf32> to vector<1x16xf32>
      tpu.vector_store %arg5[%swap3A, %swap3A_49], %swap3A_52 {strides = array<i32>} : memref<128x16xf32, #tpu.memory_space<vmem>>, vector<1x16xf32>,
      %scan3A_53 = arith.constant 0 : i32
      scf.yield %scan3A_53 : i32
    }
    %scan3A_33 = arith.constant 128 : i32
    "tpu.region"() ({
      %run_scoped3A = tpu.sem_alloc : memref<!tpu.dma_semaphore, #tpu.memory_space<semaphore_mem>>
      %dma_start3A = arith.constant 0 : i32
      %dma_start3A_46 = arith.constant 0 : i32
      %dma_start3A_47 = tpu.memref_slice %arg2[%add3A, %dma_start3A, %dma_start3A_46] : memref<32x80x128xi32, #tpu.memory_space<hbm>> -> memref<1x80x128xi32, #tpu.memory_space<hbm>>
      %dma_start3A_48 = tpu.memref_squeeze %dma_start3A_47 : memref<1x80x128xi32, #tpu.memory_space<hbm>> -> memref<80x128xi32, #tpu.memory_space<hbm>>
      %dma_start3A_49 = arith.constant 0 : i32
      %dma_start3A_50 = arith.constant 0 : i32
      %dma_start3A_51 = tpu.memref_slice %arg2[%add3A, %dma_start3A_49, %dma_start3A_50] : memref<32x80x128xi32, #tpu.memory_space<hbm>> -> memref<1x80x128xi32, #tpu.memory_space<hbm>>
      %dma_start3A_52 = tpu.memref_squeeze %dma_start3A_51 : memref<1x80x128xi32, #tpu.memory_space<hbm>> -> memref<80x128xi32, #tpu.memory_space<hbm>>
      tpu.enqueue_dma source(%dma_start3A_52 : memref<80x128xi32, #tpu.memory_space<hbm>>) target(%arg4 : memref<80x128xi32, #tpu.memory_space<vmem>>) target_semaphore(%run_scoped3A : memref<!tpu.dma_semaphore, #tpu.memory_space<semaphore_mem>>)
      %dma_wait3A = arith.constant 0 : i32
      %dma_wait3A_53 = arith.constant 0 : i32
      %dma_wait3A_54 = tpu.memref_slice %arg2[%add3A, %dma_wait3A, %dma_wait3A_53] : memref<32x80x128xi32, #tpu.memory_space<hbm>> -> memref<1x80x128xi32, #tpu.memory_space<hbm>>
      %dma_wait3A_55 = tpu.memref_squeeze %dma_wait3A_54 : memref<1x80x128xi32, #tpu.memory_space<hbm>> -> memref<80x128xi32, #tpu.memory_space<hbm>>
      %dma_wait3A_56 = arith.constant 0 : i32
      %dma_wait3A_57 = arith.constant 0 : i32
      %dma_wait3A_58 = tpu.memref_slice %arg2[%add3A, %dma_wait3A_56, %dma_wait3A_57] : memref<32x80x128xi32, #tpu.memory_space<hbm>> -> memref<1x80x128xi32, #tpu.memory_space<hbm>>
      %dma_wait3A_59 = tpu.memref_squeeze %dma_wait3A_58 : memref<1x80x128xi32, #tpu.memory_space<hbm>> -> memref<80x128xi32, #tpu.memory_space<hbm>>
      tpu.wait_dma2 semaphore(%run_scoped3A : memref<!tpu.dma_semaphore, #tpu.memory_space<semaphore_mem>>) src(%dma_wait3A_59 : memref<80x128xi32, #tpu.memory_space<hbm>>) dst(%arg4 : memref<80x128xi32, #tpu.memory_space<vmem>>)
      tpu.yield
    }) : () -> ()
    %barrier3A = arith.constant 0 : index
    tpu.barrier barrier_id(%barrier3A)
    %scan3A_34 = arith.constant 0 : i32
    %scan3A_35 = arith.constant 0 : i32
    %scan3A_36 = arith.constant 80 : i32
    %scan3A_37 = arith.addi %scan3A_35, %scan3A_36 : i32
    %scan3A_38 = arith.constant 1 : i32
    %scan3A_39 = scf.for %scan3A_46 = %scan3A_35 to %scan3A_37 step %scan3A_38 iter_args(%scan3A_47 = %scan3A_34) -> (i32)  : i32 {
      "tpu.region"() ({
        %run_scoped3A = tpu.sem_alloc : memref<!tpu.dma_semaphore, #tpu.memory_space<semaphore_mem>>
        %dma_start3A = arith.constant 0 : i32
        %dma_start3A_49 = tpu.memref_slice %arg4[%scan3A_46, %dma_start3A] : memref<80x128xi32, #tpu.memory_space<vmem>> -> memref<1x128xi32, #tpu.memory_space<vmem>>
        %dma_start3A_50 = tpu.memref_squeeze %dma_start3A_49 : memref<1x128xi32, #tpu.memory_space<vmem>> -> memref<128xi32, #tpu.memory_space<vmem>>
        %dma_start3A_51 = arith.constant 0 : i32
        %dma_start3A_52 = arith.constant 0 : i32
        %dma_start3A_53 = tpu.memref_slice %arg6[%dma_start3A_51, %dma_start3A_52] : memref<10240x16xf32, #tpu.memory_space<vmem_shared>> -> memref<10240x16xf32, #tpu.memory_space<vmem_shared>>
        tpu.enqueue_indirect_dma source(%arg5 : memref<128x16xf32, #tpu.memory_space<vmem>>) target(%dma_start3A_53 : memref<10240x16xf32, #tpu.memory_space<vmem_shared>>) offsets(%dma_start3A_50 : memref<128xi32, #tpu.memory_space<vmem>>) semaphore(%run_scoped3A : memref<!tpu.dma_semaphore, #tpu.memory_space<semaphore_mem>>) {add = true}
        %dma_wait3A = arith.constant 0 : i32
        %dma_wait3A_54 = tpu.memref_slice %arg4[%scan3A_46, %dma_wait3A] : memref<80x128xi32, #tpu.memory_space<vmem>> -> memref<1x128xi32, #tpu.memory_space<vmem>>
        %dma_wait3A_55 = tpu.memref_squeeze %dma_wait3A_54 : memref<1x128xi32, #tpu.memory_space<vmem>> -> memref<128xi32, #tpu.memory_space<vmem>>
        %dma_wait3A_56 = arith.constant 0 : i32
        %dma_wait3A_57 = arith.constant 0 : i32
        %dma_wait3A_58 = tpu.memref_slice %arg6[%dma_wait3A_56, %dma_wait3A_57] : memref<10240x16xf32, #tpu.memory_space<vmem_shared>> -> memref<10240x16xf32, #tpu.memory_space<vmem_shared>>
        tpu.wait_indirect_dma semaphore(%run_scoped3A : memref<!tpu.dma_semaphore, #tpu.memory_space<semaphore_mem>>) src(%arg5 : memref<128x16xf32, #tpu.memory_space<vmem>>) dst(%dma_wait3A_58 : memref<10240x16xf32, #tpu.memory_space<vmem_shared>>)
        tpu.yield
      }) : () -> ()
      %scan3A_48 = arith.constant 0 : i32
      scf.yield %scan3A_48 : i32
    }
    %scan3A_40 = arith.constant 80 : i32
    %barrier3A_41 = arith.constant 0 : index
    tpu.barrier barrier_id(%barrier3A_41)
    %mul3A_42 = arith.constant 640 : i32
    %mul3A_43 = arith.muli %arg1, %mul3A_42 : i32
    %mul3A_44 = arith.constant 640 : i32
    %mul3A_45 = arith.muli %arg1, %mul3A_44 : i32
    "tpu.region"() ({
      %run_scoped3A = tpu.sem_alloc : memref<!tpu.dma_semaphore, #tpu.memory_space<semaphore_mem>>
      %dma_start3A = arith.constant 0 : i32
      %dma_start3A_46 = tpu.memref_slice %arg3[%arg0, %mul3A_45, %dma_start3A] : memref<2x10240x16xf32, #tpu.memory_space<hbm>> -> memref<1x640x16xf32, #tpu.memory_space<hbm>>
      %dma_start3A_47 = tpu.memref_squeeze %dma_start3A_46 : memref<1x640x16xf32, #tpu.memory_space<hbm>> -> memref<640x16xf32, #tpu.memory_space<hbm>>
      %dma_start3A_48 = arith.constant 0 : i32
      %dma_start3A_49 = tpu.memref_slice %arg6[%mul3A_43, %dma_start3A_48] : memref<10240x16xf32, #tpu.memory_space<vmem_shared>> -> memref<640x16xf32, #tpu.memory_space<vmem_shared>>
      tpu.enqueue_dma source(%dma_start3A_49 : memref<640x16xf32, #tpu.memory_space<vmem_shared>>) target(%dma_start3A_47 : memref<640x16xf32, #tpu.memory_space<hbm>>) target_semaphore(%run_scoped3A : memref<!tpu.dma_semaphore, #tpu.memory_space<semaphore_mem>>)
      %dma_wait3A = arith.constant 0 : i32
      %dma_wait3A_50 = tpu.memref_slice %arg3[%arg0, %mul3A_45, %dma_wait3A] : memref<2x10240x16xf32, #tpu.memory_space<hbm>> -> memref<1x640x16xf32, #tpu.memory_space<hbm>>
      %dma_wait3A_51 = tpu.memref_squeeze %dma_wait3A_50 : memref<1x640x16xf32, #tpu.memory_space<hbm>> -> memref<640x16xf32, #tpu.memory_space<hbm>>
      %dma_wait3A_52 = arith.constant 0 : i32
      %dma_wait3A_53 = tpu.memref_slice %arg6[%mul3A_43, %dma_wait3A_52] : memref<10240x16xf32, #tpu.memory_space<vmem_shared>> -> memref<640x16xf32, #tpu.memory_space<vmem_shared>>
      tpu.wait_dma2 semaphore(%run_scoped3A : memref<!tpu.dma_semaphore, #tpu.memory_space<semaphore_mem>>) src(%dma_wait3A_53 : memref<640x16xf32, #tpu.memory_space<vmem_shared>>) dst(%dma_wait3A_51 : memref<640x16xf32, #tpu.memory_space<hbm>>)
      tpu.yield
    }) : () -> ()
    return
  }
}

#map = affine_map<(d0, d1) -> (0, 0)>
#map1 = affine_map<(d0, d1) -> (0, 0, 0)>
module attributes {stable_mosaic.version = 14 : i64} {
  func.func @_prop_kernel(%arg0: i32, %arg1: i32, %arg2: memref<10240x128xf32, #tpu.memory_space<hbm>>, %arg3: memref<32x80x128xi32, #tpu.memory_space<hbm>>, %arg4: memref<32x80x128xi32, #tpu.memory_space<hbm>>, %arg5: memref<2x10240x128xf32, #tpu.memory_space<hbm>>, %arg6: memref<128xi32, #tpu.memory_space<vmem>>, %arg7: memref<128xi32, #tpu.memory_space<vmem>>, %arg8: memref<128xi32, #tpu.memory_space<vmem>>, %arg9: memref<128xi32, #tpu.memory_space<vmem>>, %arg10: memref<128x128xf32, #tpu.memory_space<vmem>>, %arg11: memref<128x128xf32, #tpu.memory_space<vmem>>, %arg12: memref<10240x128xf32, #tpu.memory_space<vmem_shared>>, %arg13: memref<!tpu.dma_semaphore, #tpu.memory_space<semaphore_mem>>, %arg14: memref<!tpu.dma_semaphore, #tpu.memory_space<semaphore_mem>>, %arg15: memref<!tpu.dma_semaphore, #tpu.memory_space<semaphore_mem>>, %arg16: memref<!tpu.dma_semaphore, #tpu.memory_space<semaphore_mem>>) attributes {dimension_semantics = [#tpu.dimension_semantics<core_parallel>, #tpu.dimension_semantics<subcore_parallel>], iteration_bounds = array<i64: 2, 16>, scalar_prefetch = 0 : i64, scratch_operands = 11 : i64, tpu.core_type = #tpu.core_type<sc_vector_subcore>, window_params = [{transform_indices = #map}, {transform_indices = #map1}, {transform_indices = #map1}, {transform_indices = #map1}]} {
    %mul3A = arith.constant 16 : i32
    %mul3A_0 = arith.muli %arg0, %mul3A : i32
    %add3A = arith.addi %mul3A_0, %arg1 : i32
    %scan3A = arith.constant 0 : i32
    %scan3A_1 = arith.constant 0 : i32
    %scan3A_2 = arith.constant 128 : i32
    %scan3A_3 = arith.addi %scan3A_1, %scan3A_2 : i32
    %scan3A_4 = arith.constant 1 : i32
    %scan3A_5 = scf.for %scan3A_39 = %scan3A_1 to %scan3A_3 step %scan3A_4 iter_args(%scan3A_40 = %scan3A) -> (i32)  : i32 {
      %broadcast_in_dim3A = arith.constant 0.000000e+00 : f32
      %broadcast_in_dim3A_41 = vector.broadcast %broadcast_in_dim3A : f32 to vector<16xf32>
      %swap3A = arith.index_cast %scan3A_39 : i32 to index
      %swap3A_42 = arith.constant 0 : index
      %swap3A_43 = tpu.vector_load %arg10[%swap3A, %swap3A_42] {strides = array<i32>} : memref<128x128xf32, #tpu.memory_space<vmem>>, vector<1x16xf32>,
      %swap3A_44 = vector.shape_cast %swap3A_43 : vector<1x16xf32> to vector<16xf32>
      %swap3A_45 = vector.shape_cast %broadcast_in_dim3A_41 : vector<16xf32> to vector<1x16xf32>
      tpu.vector_store %arg10[%swap3A, %swap3A_42], %swap3A_45 {strides = array<i32>} : memref<128x128xf32, #tpu.memory_space<vmem>>, vector<1x16xf32>,
      %broadcast_in_dim3A_46 = arith.constant 0.000000e+00 : f32
      %broadcast_in_dim3A_47 = vector.broadcast %broadcast_in_dim3A_46 : f32 to vector<16xf32>
      %swap3A_48 = arith.index_cast %scan3A_39 : i32 to index
      %swap3A_49 = arith.constant 16 : index
      %swap3A_50 = tpu.vector_load %arg10[%swap3A_48, %swap3A_49] {strides = array<i32>} : memref<128x128xf32, #tpu.memory_space<vmem>>, vector<1x16xf32>,
      %swap3A_51 = vector.shape_cast %swap3A_50 : vector<1x16xf32> to vector<16xf32>
      %swap3A_52 = vector.shape_cast %broadcast_in_dim3A_47 : vector<16xf32> to vector<1x16xf32>
      tpu.vector_store %arg10[%swap3A_48, %swap3A_49], %swap3A_52 {strides = array<i32>} : memref<128x128xf32, #tpu.memory_space<vmem>>, vector<1x16xf32>,
      %broadcast_in_dim3A_53 = arith.constant 0.000000e+00 : f32
      %broadcast_in_dim3A_54 = vector.broadcast %broadcast_in_dim3A_53 : f32 to vector<16xf32>
      %swap3A_55 = arith.index_cast %scan3A_39 : i32 to index
      %swap3A_56 = arith.constant 32 : index
      %swap3A_57 = tpu.vector_load %arg10[%swap3A_55, %swap3A_56] {strides = array<i32>} : memref<128x128xf32, #tpu.memory_space<vmem>>, vector<1x16xf32>,
      %swap3A_58 = vector.shape_cast %swap3A_57 : vector<1x16xf32> to vector<16xf32>
      %swap3A_59 = vector.shape_cast %broadcast_in_dim3A_54 : vector<16xf32> to vector<1x16xf32>
      tpu.vector_store %arg10[%swap3A_55, %swap3A_56], %swap3A_59 {strides = array<i32>} : memref<128x128xf32, #tpu.memory_space<vmem>>, vector<1x16xf32>,
      %broadcast_in_dim3A_60 = arith.constant 0.000000e+00 : f32
      %broadcast_in_dim3A_61 = vector.broadcast %broadcast_in_dim3A_60 : f32 to vector<16xf32>
      %swap3A_62 = arith.index_cast %scan3A_39 : i32 to index
      %swap3A_63 = arith.constant 48 : index
      %swap3A_64 = tpu.vector_load %arg10[%swap3A_62, %swap3A_63] {strides = array<i32>} : memref<128x128xf32, #tpu.memory_space<vmem>>, vector<1x16xf32>,
      %swap3A_65 = vector.shape_cast %swap3A_64 : vector<1x16xf32> to vector<16xf32>
      %swap3A_66 = vector.shape_cast %broadcast_in_dim3A_61 : vector<16xf32> to vector<1x16xf32>
      tpu.vector_store %arg10[%swap3A_62, %swap3A_63], %swap3A_66 {strides = array<i32>} : memref<128x128xf32, #tpu.memory_space<vmem>>, vector<1x16xf32>,
      %broadcast_in_dim3A_67 = arith.constant 0.000000e+00 : f32
      %broadcast_in_dim3A_68 = vector.broadcast %broadcast_in_dim3A_67 : f32 to vector<16xf32>
      %swap3A_69 = arith.index_cast %scan3A_39 : i32 to index
      %swap3A_70 = arith.constant 64 : index
      %swap3A_71 = tpu.vector_load %arg10[%swap3A_69, %swap3A_70] {strides = array<i32>} : memref<128x128xf32, #tpu.memory_space<vmem>>, vector<1x16xf32>,
      %swap3A_72 = vector.shape_cast %swap3A_71 : vector<1x16xf32> to vector<16xf32>
      %swap3A_73 = vector.shape_cast %broadcast_in_dim3A_68 : vector<16xf32> to vector<1x16xf32>
      tpu.vector_store %arg10[%swap3A_69, %swap3A_70], %swap3A_73 {strides = array<i32>} : memref<128x128xf32, #tpu.memory_space<vmem>>, vector<1x16xf32>,
      %broadcast_in_dim3A_74 = arith.constant 0.000000e+00 : f32
      %broadcast_in_dim3A_75 = vector.broadcast %broadcast_in_dim3A_74 : f32 to vector<16xf32>
      %swap3A_76 = arith.index_cast %scan3A_39 : i32 to index
      %swap3A_77 = arith.constant 80 : index
      %swap3A_78 = tpu.vector_load %arg10[%swap3A_76, %swap3A_77] {strides = array<i32>} : memref<128x128xf32, #tpu.memory_space<vmem>>, vector<1x16xf32>,
      %swap3A_79 = vector.shape_cast %swap3A_78 : vector<1x16xf32> to vector<16xf32>
      %swap3A_80 = vector.shape_cast %broadcast_in_dim3A_75 : vector<16xf32> to vector<1x16xf32>
      tpu.vector_store %arg10[%swap3A_76, %swap3A_77], %swap3A_80 {strides = array<i32>} : memref<128x128xf32, #tpu.memory_space<vmem>>, vector<1x16xf32>,
      %broadcast_in_dim3A_81 = arith.constant 0.000000e+00 : f32
      %broadcast_in_dim3A_82 = vector.broadcast %broadcast_in_dim3A_81 : f32 to vector<16xf32>
      %swap3A_83 = arith.index_cast %scan3A_39 : i32 to index
      %swap3A_84 = arith.constant 96 : index
      %swap3A_85 = tpu.vector_load %arg10[%swap3A_83, %swap3A_84] {strides = array<i32>} : memref<128x128xf32, #tpu.memory_space<vmem>>, vector<1x16xf32>,
      %swap3A_86 = vector.shape_cast %swap3A_85 : vector<1x16xf32> to vector<16xf32>
      %swap3A_87 = vector.shape_cast %broadcast_in_dim3A_82 : vector<16xf32> to vector<1x16xf32>
      tpu.vector_store %arg10[%swap3A_83, %swap3A_84], %swap3A_87 {strides = array<i32>} : memref<128x128xf32, #tpu.memory_space<vmem>>, vector<1x16xf32>,
      %broadcast_in_dim3A_88 = arith.constant 0.000000e+00 : f32
      %broadcast_in_dim3A_89 = vector.broadcast %broadcast_in_dim3A_88 : f32 to vector<16xf32>
      %swap3A_90 = arith.index_cast %scan3A_39 : i32 to index
      %swap3A_91 = arith.constant 112 : index
      %swap3A_92 = tpu.vector_load %arg10[%swap3A_90, %swap3A_91] {strides = array<i32>} : memref<128x128xf32, #tpu.memory_space<vmem>>, vector<1x16xf32>,
      %swap3A_93 = vector.shape_cast %swap3A_92 : vector<1x16xf32> to vector<16xf32>
      %swap3A_94 = vector.shape_cast %broadcast_in_dim3A_89 : vector<16xf32> to vector<1x16xf32>
      tpu.vector_store %arg10[%swap3A_90, %swap3A_91], %swap3A_94 {strides = array<i32>} : memref<128x128xf32, #tpu.memory_space<vmem>>, vector<1x16xf32>,
      %scan3A_95 = arith.constant 0 : i32
      scf.yield %scan3A_95 : i32
    }
    %scan3A_6 = arith.constant 128 : i32
    %mul3A_7 = arith.constant 640 : i32
    %mul3A_8 = arith.muli %arg1, %mul3A_7 : i32
    %add3A_9 = arith.constant 0 : i32
    %add3A_10 = arith.addi %mul3A_8, %add3A_9 : i32
    "tpu.region"() ({
      %run_scoped3A = tpu.sem_alloc : memref<!tpu.dma_semaphore, #tpu.memory_space<semaphore_mem>>
      %dma_start3A = arith.constant 0 : i32
      %dma_start3A_39 = tpu.memref_slice %arg12[%add3A_10, %dma_start3A] : memref<10240x128xf32, #tpu.memory_space<vmem_shared>> -> memref<128x128xf32, #tpu.memory_space<vmem_shared>>
      %dma_start3A_40 = arith.constant 0 : i32
      %dma_start3A_41 = tpu.memref_slice %arg12[%add3A_10, %dma_start3A_40] : memref<10240x128xf32, #tpu.memory_space<vmem_shared>> -> memref<128x128xf32, #tpu.memory_space<vmem_shared>>
      tpu.enqueue_dma source(%arg10 : memref<128x128xf32, #tpu.memory_space<vmem>>) target(%dma_start3A_41 : memref<128x128xf32, #tpu.memory_space<vmem_shared>>) target_semaphore(%run_scoped3A : memref<!tpu.dma_semaphore, #tpu.memory_space<semaphore_mem>>)
      %dma_wait3A = arith.constant 0 : i32
      %dma_wait3A_42 = tpu.memref_slice %arg12[%add3A_10, %dma_wait3A] : memref<10240x128xf32, #tpu.memory_space<vmem_shared>> -> memref<128x128xf32, #tpu.memory_space<vmem_shared>>
      %dma_wait3A_43 = arith.constant 0 : i32
      %dma_wait3A_44 = tpu.memref_slice %arg12[%add3A_10, %dma_wait3A_43] : memref<10240x128xf32, #tpu.memory_space<vmem_shared>> -> memref<128x128xf32, #tpu.memory_space<vmem_shared>>
      tpu.wait_dma2 semaphore(%run_scoped3A : memref<!tpu.dma_semaphore, #tpu.memory_space<semaphore_mem>>) src(%arg10 : memref<128x128xf32, #tpu.memory_space<vmem>>) dst(%dma_wait3A_44 : memref<128x128xf32, #tpu.memory_space<vmem_shared>>)
      tpu.yield
    }) : () -> ()
    %mul3A_11 = arith.constant 640 : i32
    %mul3A_12 = arith.muli %arg1, %mul3A_11 : i32
    %add3A_13 = arith.constant 128 : i32
    %add3A_14 = arith.addi %mul3A_12, %add3A_13 : i32
    "tpu.region"() ({
      %run_scoped3A = tpu.sem_alloc : memref<!tpu.dma_semaphore, #tpu.memory_space<semaphore_mem>>
      %dma_start3A = arith.constant 0 : i32
      %dma_start3A_39 = tpu.memref_slice %arg12[%add3A_14, %dma_start3A] : memref<10240x128xf32, #tpu.memory_space<vmem_shared>> -> memref<128x128xf32, #tpu.memory_space<vmem_shared>>
      %dma_start3A_40 = arith.constant 0 : i32
      %dma_start3A_41 = tpu.memref_slice %arg12[%add3A_14, %dma_start3A_40] : memref<10240x128xf32, #tpu.memory_space<vmem_shared>> -> memref<128x128xf32, #tpu.memory_space<vmem_shared>>
      tpu.enqueue_dma source(%arg10 : memref<128x128xf32, #tpu.memory_space<vmem>>) target(%dma_start3A_41 : memref<128x128xf32, #tpu.memory_space<vmem_shared>>) target_semaphore(%run_scoped3A : memref<!tpu.dma_semaphore, #tpu.memory_space<semaphore_mem>>)
      %dma_wait3A = arith.constant 0 : i32
      %dma_wait3A_42 = tpu.memref_slice %arg12[%add3A_14, %dma_wait3A] : memref<10240x128xf32, #tpu.memory_space<vmem_shared>> -> memref<128x128xf32, #tpu.memory_space<vmem_shared>>
      %dma_wait3A_43 = arith.constant 0 : i32
      %dma_wait3A_44 = tpu.memref_slice %arg12[%add3A_14, %dma_wait3A_43] : memref<10240x128xf32, #tpu.memory_space<vmem_shared>> -> memref<128x128xf32, #tpu.memory_space<vmem_shared>>
      tpu.wait_dma2 semaphore(%run_scoped3A : memref<!tpu.dma_semaphore, #tpu.memory_space<semaphore_mem>>) src(%arg10 : memref<128x128xf32, #tpu.memory_space<vmem>>) dst(%dma_wait3A_44 : memref<128x128xf32, #tpu.memory_space<vmem_shared>>)
      tpu.yield
    }) : () -> ()
    %mul3A_15 = arith.constant 640 : i32
    %mul3A_16 = arith.muli %arg1, %mul3A_15 : i32
    %add3A_17 = arith.constant 256 : i32
    %add3A_18 = arith.addi %mul3A_16, %add3A_17 : i32
    "tpu.region"() ({
      %run_scoped3A = tpu.sem_alloc : memref<!tpu.dma_semaphore, #tpu.memory_space<semaphore_mem>>
      %dma_start3A = arith.constant 0 : i32
      %dma_start3A_39 = tpu.memref_slice %arg12[%add3A_18, %dma_start3A] : memref<10240x128xf32, #tpu.memory_space<vmem_shared>> -> memref<128x128xf32, #tpu.memory_space<vmem_shared>>
      %dma_start3A_40 = arith.constant 0 : i32
      %dma_start3A_41 = tpu.memref_slice %arg12[%add3A_18, %dma_start3A_40] : memref<10240x128xf32, #tpu.memory_space<vmem_shared>> -> memref<128x128xf32, #tpu.memory_space<vmem_shared>>
      tpu.enqueue_dma source(%arg10 : memref<128x128xf32, #tpu.memory_space<vmem>>) target(%dma_start3A_41 : memref<128x128xf32, #tpu.memory_space<vmem_shared>>) target_semaphore(%run_scoped3A : memref<!tpu.dma_semaphore, #tpu.memory_space<semaphore_mem>>)
      %dma_wait3A = arith.constant 0 : i32
      %dma_wait3A_42 = tpu.memref_slice %arg12[%add3A_18, %dma_wait3A] : memref<10240x128xf32, #tpu.memory_space<vmem_shared>> -> memref<128x128xf32, #tpu.memory_space<vmem_shared>>
      %dma_wait3A_43 = arith.constant 0 : i32
      %dma_wait3A_44 = tpu.memref_slice %arg12[%add3A_18, %dma_wait3A_43] : memref<10240x128xf32, #tpu.memory_space<vmem_shared>> -> memref<128x128xf32, #tpu.memory_space<vmem_shared>>
      tpu.wait_dma2 semaphore(%run_scoped3A : memref<!tpu.dma_semaphore, #tpu.memory_space<semaphore_mem>>) src(%arg10 : memref<128x128xf32, #tpu.memory_space<vmem>>) dst(%dma_wait3A_44 : memref<128x128xf32, #tpu.memory_space<vmem_shared>>)
      tpu.yield
    }) : () -> ()
    %mul3A_19 = arith.constant 640 : i32
    %mul3A_20 = arith.muli %arg1, %mul3A_19 : i32
    %add3A_21 = arith.constant 384 : i32
    %add3A_22 = arith.addi %mul3A_20, %add3A_21 : i32
    "tpu.region"() ({
      %run_scoped3A = tpu.sem_alloc : memref<!tpu.dma_semaphore, #tpu.memory_space<semaphore_mem>>
      %dma_start3A = arith.constant 0 : i32
      %dma_start3A_39 = tpu.memref_slice %arg12[%add3A_22, %dma_start3A] : memref<10240x128xf32, #tpu.memory_space<vmem_shared>> -> memref<128x128xf32, #tpu.memory_space<vmem_shared>>
      %dma_start3A_40 = arith.constant 0 : i32
      %dma_start3A_41 = tpu.memref_slice %arg12[%add3A_22, %dma_start3A_40] : memref<10240x128xf32, #tpu.memory_space<vmem_shared>> -> memref<128x128xf32, #tpu.memory_space<vmem_shared>>
      tpu.enqueue_dma source(%arg10 : memref<128x128xf32, #tpu.memory_space<vmem>>) target(%dma_start3A_41 : memref<128x128xf32, #tpu.memory_space<vmem_shared>>) target_semaphore(%run_scoped3A : memref<!tpu.dma_semaphore, #tpu.memory_space<semaphore_mem>>)
      %dma_wait3A = arith.constant 0 : i32
      %dma_wait3A_42 = tpu.memref_slice %arg12[%add3A_22, %dma_wait3A] : memref<10240x128xf32, #tpu.memory_space<vmem_shared>> -> memref<128x128xf32, #tpu.memory_space<vmem_shared>>
      %dma_wait3A_43 = arith.constant 0 : i32
      %dma_wait3A_44 = tpu.memref_slice %arg12[%add3A_22, %dma_wait3A_43] : memref<10240x128xf32, #tpu.memory_space<vmem_shared>> -> memref<128x128xf32, #tpu.memory_space<vmem_shared>>
      tpu.wait_dma2 semaphore(%run_scoped3A : memref<!tpu.dma_semaphore, #tpu.memory_space<semaphore_mem>>) src(%arg10 : memref<128x128xf32, #tpu.memory_space<vmem>>) dst(%dma_wait3A_44 : memref<128x128xf32, #tpu.memory_space<vmem_shared>>)
      tpu.yield
    }) : () -> ()
    %mul3A_23 = arith.constant 640 : i32
    %mul3A_24 = arith.muli %arg1, %mul3A_23 : i32
    %add3A_25 = arith.constant 512 : i32
    %add3A_26 = arith.addi %mul3A_24, %add3A_25 : i32
    "tpu.region"() ({
      %run_scoped3A = tpu.sem_alloc : memref<!tpu.dma_semaphore, #tpu.memory_space<semaphore_mem>>
      %dma_start3A = arith.constant 0 : i32
      %dma_start3A_39 = tpu.memref_slice %arg12[%add3A_26, %dma_start3A] : memref<10240x128xf32, #tpu.memory_space<vmem_shared>> -> memref<128x128xf32, #tpu.memory_space<vmem_shared>>
      %dma_start3A_40 = arith.constant 0 : i32
      %dma_start3A_41 = tpu.memref_slice %arg12[%add3A_26, %dma_start3A_40] : memref<10240x128xf32, #tpu.memory_space<vmem_shared>> -> memref<128x128xf32, #tpu.memory_space<vmem_shared>>
      tpu.enqueue_dma source(%arg10 : memref<128x128xf32, #tpu.memory_space<vmem>>) target(%dma_start3A_41 : memref<128x128xf32, #tpu.memory_space<vmem_shared>>) target_semaphore(%run_scoped3A : memref<!tpu.dma_semaphore, #tpu.memory_space<semaphore_mem>>)
      %dma_wait3A = arith.constant 0 : i32
      %dma_wait3A_42 = tpu.memref_slice %arg12[%add3A_26, %dma_wait3A] : memref<10240x128xf32, #tpu.memory_space<vmem_shared>> -> memref<128x128xf32, #tpu.memory_space<vmem_shared>>
      %dma_wait3A_43 = arith.constant 0 : i32
      %dma_wait3A_44 = tpu.memref_slice %arg12[%add3A_26, %dma_wait3A_43] : memref<10240x128xf32, #tpu.memory_space<vmem_shared>> -> memref<128x128xf32, #tpu.memory_space<vmem_shared>>
      tpu.wait_dma2 semaphore(%run_scoped3A : memref<!tpu.dma_semaphore, #tpu.memory_space<semaphore_mem>>) src(%arg10 : memref<128x128xf32, #tpu.memory_space<vmem>>) dst(%dma_wait3A_44 : memref<128x128xf32, #tpu.memory_space<vmem_shared>>)
      tpu.yield
    }) : () -> ()
    %barrier3A = arith.constant 0 : index
    tpu.barrier barrier_id(%barrier3A)
    %scan3A_27 = arith.constant 0 : i32
    %scan3A_28 = arith.constant 0 : i32
    %scan3A_29 = arith.constant 40 : i32
    %scan3A_30 = arith.addi %scan3A_28, %scan3A_29 : i32
    %scan3A_31 = arith.constant 1 : i32
    %scan3A_32 = scf.for %scan3A_39 = %scan3A_28 to %scan3A_30 step %scan3A_31 iter_args(%scan3A_40 = %scan3A_27) -> (i32)  : i32 {
      %mul3A_41 = arith.constant 2 : i32
      %mul3A_42 = arith.muli %mul3A_41, %scan3A_39 : i32
      %dma_start3A = arith.constant 0 : i32
      %dma_start3A_43 = tpu.memref_slice %arg3[%add3A, %mul3A_42, %dma_start3A] : memref<32x80x128xi32, #tpu.memory_space<hbm>> -> memref<1x1x128xi32, #tpu.memory_space<hbm>>
      %dma_start3A_44 = tpu.memref_squeeze %dma_start3A_43 : memref<1x1x128xi32, #tpu.memory_space<hbm>> -> memref<128xi32, #tpu.memory_space<hbm>>
      %dma_start3A_45 = arith.constant 0 : i32
      %dma_start3A_46 = tpu.memref_slice %arg3[%add3A, %mul3A_42, %dma_start3A_45] : memref<32x80x128xi32, #tpu.memory_space<hbm>> -> memref<1x1x128xi32, #tpu.memory_space<hbm>>
      %dma_start3A_47 = tpu.memref_squeeze %dma_start3A_46 : memref<1x1x128xi32, #tpu.memory_space<hbm>> -> memref<128xi32, #tpu.memory_space<hbm>>
      tpu.enqueue_dma source(%dma_start3A_47 : memref<128xi32, #tpu.memory_space<hbm>>) target(%arg6 : memref<128xi32, #tpu.memory_space<vmem>>) target_semaphore(%arg15 : memref<!tpu.dma_semaphore, #tpu.memory_space<semaphore_mem>>)
      %add3A_48 = arith.constant 1 : i32
      %add3A_49 = arith.addi %mul3A_42, %add3A_48 : i32
      %dma_start3A_50 = arith.constant 0 : i32
      %dma_start3A_51 = tpu.memref_slice %arg3[%add3A, %add3A_49, %dma_start3A_50] : memref<32x80x128xi32, #tpu.memory_space<hbm>> -> memref<1x1x128xi32, #tpu.memory_space<hbm>>
      %dma_start3A_52 = tpu.memref_squeeze %dma_start3A_51 : memref<1x1x128xi32, #tpu.memory_space<hbm>> -> memref<128xi32, #tpu.memory_space<hbm>>
      %dma_start3A_53 = arith.constant 0 : i32
      %dma_start3A_54 = tpu.memref_slice %arg3[%add3A, %add3A_49, %dma_start3A_53] : memref<32x80x128xi32, #tpu.memory_space<hbm>> -> memref<1x1x128xi32, #tpu.memory_space<hbm>>
      %dma_start3A_55 = tpu.memref_squeeze %dma_start3A_54 : memref<1x1x128xi32, #tpu.memory_space<hbm>> -> memref<128xi32, #tpu.memory_space<hbm>>
      tpu.enqueue_dma source(%dma_start3A_55 : memref<128xi32, #tpu.memory_space<hbm>>) target(%arg7 : memref<128xi32, #tpu.memory_space<vmem>>) target_semaphore(%arg16 : memref<!tpu.dma_semaphore, #tpu.memory_space<semaphore_mem>>)
      "tpu.region"() ({
        %run_scoped3A = tpu.sem_alloc : memref<!tpu.dma_semaphore, #tpu.memory_space<semaphore_mem>>
        %dma_start3A_82 = arith.constant 0 : i32
        %dma_start3A_83 = tpu.memref_slice %arg4[%add3A, %mul3A_42, %dma_start3A_82] : memref<32x80x128xi32, #tpu.memory_space<hbm>> -> memref<1x1x128xi32, #tpu.memory_space<hbm>>
        %dma_start3A_84 = tpu.memref_squeeze %dma_start3A_83 : memref<1x1x128xi32, #tpu.memory_space<hbm>> -> memref<128xi32, #tpu.memory_space<hbm>>
        %dma_start3A_85 = arith.constant 0 : i32
        %dma_start3A_86 = tpu.memref_slice %arg4[%add3A, %mul3A_42, %dma_start3A_85] : memref<32x80x128xi32, #tpu.memory_space<hbm>> -> memref<1x1x128xi32, #tpu.memory_space<hbm>>
        %dma_start3A_87 = tpu.memref_squeeze %dma_start3A_86 : memref<1x1x128xi32, #tpu.memory_space<hbm>> -> memref<128xi32, #tpu.memory_space<hbm>>
        tpu.enqueue_dma source(%dma_start3A_87 : memref<128xi32, #tpu.memory_space<hbm>>) target(%arg8 : memref<128xi32, #tpu.memory_space<vmem>>) target_semaphore(%run_scoped3A : memref<!tpu.dma_semaphore, #tpu.memory_space<semaphore_mem>>)
        %dma_wait3A_88 = arith.constant 0 : i32
        %dma_wait3A_89 = tpu.memref_slice %arg4[%add3A, %mul3A_42, %dma_wait3A_88] : memref<32x80x128xi32, #tpu.memory_space<hbm>> -> memref<1x1x128xi32, #tpu.memory_space<hbm>>
        %dma_wait3A_90 = tpu.memref_squeeze %dma_wait3A_89 : memref<1x1x128xi32, #tpu.memory_space<hbm>> -> memref<128xi32, #tpu.memory_space<hbm>>
        %dma_wait3A_91 = arith.constant 0 : i32
        %dma_wait3A_92 = tpu.memref_slice %arg4[%add3A, %mul3A_42, %dma_wait3A_91] : memref<32x80x128xi32, #tpu.memory_space<hbm>> -> memref<1x1x128xi32, #tpu.memory_space<hbm>>
        %dma_wait3A_93 = tpu.memref_squeeze %dma_wait3A_92 : memref<1x1x128xi32, #tpu.memory_space<hbm>> -> memref<128xi32, #tpu.memory_space<hbm>>
        tpu.wait_dma2 semaphore(%run_scoped3A : memref<!tpu.dma_semaphore, #tpu.memory_space<semaphore_mem>>) src(%dma_wait3A_93 : memref<128xi32, #tpu.memory_space<hbm>>) dst(%arg8 : memref<128xi32, #tpu.memory_space<vmem>>)
        tpu.yield
      }) : () -> ()
      %add3A_56 = arith.constant 1 : i32
      %add3A_57 = arith.addi %mul3A_42, %add3A_56 : i32
      "tpu.region"() ({
        %run_scoped3A = tpu.sem_alloc : memref<!tpu.dma_semaphore, #tpu.memory_space<semaphore_mem>>
        %dma_start3A_82 = arith.constant 0 : i32
        %dma_start3A_83 = tpu.memref_slice %arg4[%add3A, %add3A_57, %dma_start3A_82] : memref<32x80x128xi32, #tpu.memory_space<hbm>> -> memref<1x1x128xi32, #tpu.memory_space<hbm>>
        %dma_start3A_84 = tpu.memref_squeeze %dma_start3A_83 : memref<1x1x128xi32, #tpu.memory_space<hbm>> -> memref<128xi32, #tpu.memory_space<hbm>>
        %dma_start3A_85 = arith.constant 0 : i32
        %dma_start3A_86 = tpu.memref_slice %arg4[%add3A, %add3A_57, %dma_start3A_85] : memref<32x80x128xi32, #tpu.memory_space<hbm>> -> memref<1x1x128xi32, #tpu.memory_space<hbm>>
        %dma_start3A_87 = tpu.memref_squeeze %dma_start3A_86 : memref<1x1x128xi32, #tpu.memory_space<hbm>> -> memref<128xi32, #tpu.memory_space<hbm>>
        tpu.enqueue_dma source(%dma_start3A_87 : memref<128xi32, #tpu.memory_space<hbm>>) target(%arg9 : memref<128xi32, #tpu.memory_space<vmem>>) target_semaphore(%run_scoped3A : memref<!tpu.dma_semaphore, #tpu.memory_space<semaphore_mem>>)
        %dma_wait3A_88 = arith.constant 0 : i32
        %dma_wait3A_89 = tpu.memref_slice %arg4[%add3A, %add3A_57, %dma_wait3A_88] : memref<32x80x128xi32, #tpu.memory_space<hbm>> -> memref<1x1x128xi32, #tpu.memory_space<hbm>>
        %dma_wait3A_90 = tpu.memref_squeeze %dma_wait3A_89 : memref<1x1x128xi32, #tpu.memory_space<hbm>> -> memref<128xi32, #tpu.memory_space<hbm>>
        %dma_wait3A_91 = arith.constant 0 : i32
        %dma_wait3A_92 = tpu.memref_slice %arg4[%add3A, %add3A_57, %dma_wait3A_91] : memref<32x80x128xi32, #tpu.memory_space<hbm>> -> memref<1x1x128xi32, #tpu.memory_space<hbm>>
        %dma_wait3A_93 = tpu.memref_squeeze %dma_wait3A_92 : memref<1x1x128xi32, #tpu.memory_space<hbm>> -> memref<128xi32, #tpu.memory_space<hbm>>
        tpu.wait_dma2 semaphore(%run_scoped3A : memref<!tpu.dma_semaphore, #tpu.memory_space<semaphore_mem>>) src(%dma_wait3A_93 : memref<128xi32, #tpu.memory_space<hbm>>) dst(%arg9 : memref<128xi32, #tpu.memory_space<vmem>>)
        tpu.yield
      }) : () -> ()
      %dma_wait3A = arith.constant 0 : i32
      %dma_wait3A_58 = tpu.memref_slice %arg3[%add3A, %mul3A_42, %dma_wait3A] : memref<32x80x128xi32, #tpu.memory_space<hbm>> -> memref<1x1x128xi32, #tpu.memory_space<hbm>>
      %dma_wait3A_59 = tpu.memref_squeeze %dma_wait3A_58 : memref<1x1x128xi32, #tpu.memory_space<hbm>> -> memref<128xi32, #tpu.memory_space<hbm>>
      %dma_wait3A_60 = arith.constant 0 : i32
      %dma_wait3A_61 = tpu.memref_slice %arg3[%add3A, %mul3A_42, %dma_wait3A_60] : memref<32x80x128xi32, #tpu.memory_space<hbm>> -> memref<1x1x128xi32, #tpu.memory_space<hbm>>
      %dma_wait3A_62 = tpu.memref_squeeze %dma_wait3A_61 : memref<1x1x128xi32, #tpu.memory_space<hbm>> -> memref<128xi32, #tpu.memory_space<hbm>>
      tpu.wait_dma2 semaphore(%arg15 : memref<!tpu.dma_semaphore, #tpu.memory_space<semaphore_mem>>) src(%dma_wait3A_62 : memref<128xi32, #tpu.memory_space<hbm>>) dst(%arg6 : memref<128xi32, #tpu.memory_space<vmem>>)
      %dma_start3A_63 = arith.constant 0 : i32
      %dma_start3A_64 = arith.constant 0 : i32
      %dma_start3A_65 = tpu.memref_slice %arg2[%dma_start3A_63, %dma_start3A_64] : memref<10240x128xf32, #tpu.memory_space<hbm>> -> memref<10240x128xf32, #tpu.memory_space<hbm>>
      tpu.enqueue_indirect_dma source(%dma_start3A_65 : memref<10240x128xf32, #tpu.memory_space<hbm>>) target(%arg10 : memref<128x128xf32, #tpu.memory_space<vmem>>) offsets(%arg6 : memref<128xi32, #tpu.memory_space<vmem>>) semaphore(%arg13 : memref<!tpu.dma_semaphore, #tpu.memory_space<semaphore_mem>>)
      %dma_wait3A_66 = arith.constant 0 : i32
      %dma_wait3A_67 = tpu.memref_slice %arg3[%add3A, %add3A_49, %dma_wait3A_66] : memref<32x80x128xi32, #tpu.memory_space<hbm>> -> memref<1x1x128xi32, #tpu.memory_space<hbm>>
      %dma_wait3A_68 = tpu.memref_squeeze %dma_wait3A_67 : memref<1x1x128xi32, #tpu.memory_space<hbm>> -> memref<128xi32, #tpu.memory_space<hbm>>
      %dma_wait3A_69 = arith.constant 0 : i32
      %dma_wait3A_70 = tpu.memref_slice %arg3[%add3A, %add3A_49, %dma_wait3A_69] : memref<32x80x128xi32, #tpu.memory_space<hbm>> -> memref<1x1x128xi32, #tpu.memory_space<hbm>>
      %dma_wait3A_71 = tpu.memref_squeeze %dma_wait3A_70 : memref<1x1x128xi32, #tpu.memory_space<hbm>> -> memref<128xi32, #tpu.memory_space<hbm>>
      tpu.wait_dma2 semaphore(%arg16 : memref<!tpu.dma_semaphore, #tpu.memory_space<semaphore_mem>>) src(%dma_wait3A_71 : memref<128xi32, #tpu.memory_space<hbm>>) dst(%arg7 : memref<128xi32, #tpu.memory_space<vmem>>)
      %dma_start3A_72 = arith.constant 0 : i32
      %dma_start3A_73 = arith.constant 0 : i32
      %dma_start3A_74 = tpu.memref_slice %arg2[%dma_start3A_72, %dma_start3A_73] : memref<10240x128xf32, #tpu.memory_space<hbm>> -> memref<10240x128xf32, #tpu.memory_space<hbm>>
      tpu.enqueue_indirect_dma source(%dma_start3A_74 : memref<10240x128xf32, #tpu.memory_space<hbm>>) target(%arg11 : memref<128x128xf32, #tpu.memory_space<vmem>>) offsets(%arg7 : memref<128xi32, #tpu.memory_space<vmem>>) semaphore(%arg14 : memref<!tpu.dma_semaphore, #tpu.memory_space<semaphore_mem>>)
      %dma_wait3A_75 = arith.constant 0 : i32
      %dma_wait3A_76 = arith.constant 0 : i32
      %dma_wait3A_77 = tpu.memref_slice %arg2[%dma_wait3A_75, %dma_wait3A_76] : memref<10240x128xf32, #tpu.memory_space<hbm>> -> memref<10240x128xf32, #tpu.memory_space<hbm>>
      tpu.wait_indirect_dma semaphore(%arg13 : memref<!tpu.dma_semaphore, #tpu.memory_space<semaphore_mem>>) src(%dma_wait3A_77 : memref<10240x128xf32, #tpu.memory_space<hbm>>) dst(%arg10 : memref<128x128xf32, #tpu.memory_space<vmem>>)
      "tpu.region"() ({
        %run_scoped3A = tpu.sem_alloc : memref<!tpu.dma_semaphore, #tpu.memory_space<semaphore_mem>>
        %dma_start3A_82 = arith.constant 0 : i32
        %dma_start3A_83 = arith.constant 0 : i32
        %dma_start3A_84 = tpu.memref_slice %arg12[%dma_start3A_82, %dma_start3A_83] : memref<10240x128xf32, #tpu.memory_space<vmem_shared>> -> memref<10240x128xf32, #tpu.memory_space<vmem_shared>>
        tpu.enqueue_indirect_dma source(%arg10 : memref<128x128xf32, #tpu.memory_space<vmem>>) target(%dma_start3A_84 : memref<10240x128xf32, #tpu.memory_space<vmem_shared>>) offsets(%arg8 : memref<128xi32, #tpu.memory_space<vmem>>) semaphore(%run_scoped3A : memref<!tpu.dma_semaphore, #tpu.memory_space<semaphore_mem>>) {add = true}
        %dma_wait3A_85 = arith.constant 0 : i32
        %dma_wait3A_86 = arith.constant 0 : i32
        %dma_wait3A_87 = tpu.memref_slice %arg12[%dma_wait3A_85, %dma_wait3A_86] : memref<10240x128xf32, #tpu.memory_space<vmem_shared>> -> memref<10240x128xf32, #tpu.memory_space<vmem_shared>>
        tpu.wait_indirect_dma semaphore(%run_scoped3A : memref<!tpu.dma_semaphore, #tpu.memory_space<semaphore_mem>>) src(%arg10 : memref<128x128xf32, #tpu.memory_space<vmem>>) dst(%dma_wait3A_87 : memref<10240x128xf32, #tpu.memory_space<vmem_shared>>)
        tpu.yield
      }) : () -> ()
      %dma_wait3A_78 = arith.constant 0 : i32
      %dma_wait3A_79 = arith.constant 0 : i32
      %dma_wait3A_80 = tpu.memref_slice %arg2[%dma_wait3A_78, %dma_wait3A_79] : memref<10240x128xf32, #tpu.memory_space<hbm>> -> memref<10240x128xf32, #tpu.memory_space<hbm>>
      tpu.wait_indirect_dma semaphore(%arg14 : memref<!tpu.dma_semaphore, #tpu.memory_space<semaphore_mem>>) src(%dma_wait3A_80 : memref<10240x128xf32, #tpu.memory_space<hbm>>) dst(%arg11 : memref<128x128xf32, #tpu.memory_space<vmem>>)
      "tpu.region"() ({
        %run_scoped3A = tpu.sem_alloc : memref<!tpu.dma_semaphore, #tpu.memory_space<semaphore_mem>>
        %dma_start3A_82 = arith.constant 0 : i32
        %dma_start3A_83 = arith.constant 0 : i32
        %dma_start3A_84 = tpu.memref_slice %arg12[%dma_start3A_82, %dma_start3A_83] : memref<10240x128xf32, #tpu.memory_space<vmem_shared>> -> memref<10240x128xf32, #tpu.memory_space<vmem_shared>>
        tpu.enqueue_indirect_dma source(%arg11 : memref<128x128xf32, #tpu.memory_space<vmem>>) target(%dma_start3A_84 : memref<10240x128xf32, #tpu.memory_space<vmem_shared>>) offsets(%arg9 : memref<128xi32, #tpu.memory_space<vmem>>) semaphore(%run_scoped3A : memref<!tpu.dma_semaphore, #tpu.memory_space<semaphore_mem>>) {add = true}
        %dma_wait3A_85 = arith.constant 0 : i32
        %dma_wait3A_86 = arith.constant 0 : i32
        %dma_wait3A_87 = tpu.memref_slice %arg12[%dma_wait3A_85, %dma_wait3A_86] : memref<10240x128xf32, #tpu.memory_space<vmem_shared>> -> memref<10240x128xf32, #tpu.memory_space<vmem_shared>>
        tpu.wait_indirect_dma semaphore(%run_scoped3A : memref<!tpu.dma_semaphore, #tpu.memory_space<semaphore_mem>>) src(%arg11 : memref<128x128xf32, #tpu.memory_space<vmem>>) dst(%dma_wait3A_87 : memref<10240x128xf32, #tpu.memory_space<vmem_shared>>)
        tpu.yield
      }) : () -> ()
      %scan3A_81 = arith.constant 0 : i32
      scf.yield %scan3A_81 : i32
    }
    %scan3A_33 = arith.constant 40 : i32
    %barrier3A_34 = arith.constant 0 : index
    tpu.barrier barrier_id(%barrier3A_34)
    %mul3A_35 = arith.constant 640 : i32
    %mul3A_36 = arith.muli %arg1, %mul3A_35 : i32
    %mul3A_37 = arith.constant 640 : i32
    %mul3A_38 = arith.muli %arg1, %mul3A_37 : i32
    "tpu.region"() ({
      %run_scoped3A = tpu.sem_alloc : memref<!tpu.dma_semaphore, #tpu.memory_space<semaphore_mem>>
      %dma_start3A = arith.constant 0 : i32
      %dma_start3A_39 = tpu.memref_slice %arg5[%arg0, %mul3A_38, %dma_start3A] : memref<2x10240x128xf32, #tpu.memory_space<hbm>> -> memref<1x640x128xf32, #tpu.memory_space<hbm>>
      %dma_start3A_40 = tpu.memref_squeeze %dma_start3A_39 : memref<1x640x128xf32, #tpu.memory_space<hbm>> -> memref<640x128xf32, #tpu.memory_space<hbm>>
      %dma_start3A_41 = arith.constant 0 : i32
      %dma_start3A_42 = tpu.memref_slice %arg12[%mul3A_36, %dma_start3A_41] : memref<10240x128xf32, #tpu.memory_space<vmem_shared>> -> memref<640x128xf32, #tpu.memory_space<vmem_shared>>
      tpu.enqueue_dma source(%dma_start3A_42 : memref<640x128xf32, #tpu.memory_space<vmem_shared>>) target(%dma_start3A_40 : memref<640x128xf32, #tpu.memory_space<hbm>>) target_semaphore(%run_scoped3A : memref<!tpu.dma_semaphore, #tpu.memory_space<semaphore_mem>>)
      %dma_wait3A = arith.constant 0 : i32
      %dma_wait3A_43 = tpu.memref_slice %arg5[%arg0, %mul3A_38, %dma_wait3A] : memref<2x10240x128xf32, #tpu.memory_space<hbm>> -> memref<1x640x128xf32, #tpu.memory_space<hbm>>
      %dma_wait3A_44 = tpu.memref_squeeze %dma_wait3A_43 : memref<1x640x128xf32, #tpu.memory_space<hbm>> -> memref<640x128xf32, #tpu.memory_space<hbm>>
      %dma_wait3A_45 = arith.constant 0 : i32
      %dma_wait3A_46 = tpu.memref_slice %arg12[%mul3A_36, %dma_wait3A_45] : memref<10240x128xf32, #tpu.memory_space<vmem_shared>> -> memref<640x128xf32, #tpu.memory_space<vmem_shared>>
      tpu.wait_dma2 semaphore(%run_scoped3A : memref<!tpu.dma_semaphore, #tpu.memory_space<semaphore_mem>>) src(%dma_wait3A_46 : memref<640x128xf32, #tpu.memory_space<vmem_shared>>) dst(%dma_wait3A_44 : memref<640x128xf32, #tpu.memory_space<hbm>>)
      tpu.yield
    }) : () -> ()
    return
  }
}

module attributes {stable_mosaic.version = 14 : i64} {
  func.func @_stage1_body(%arg0: i32, %arg1: memref<512x128xf32, #tpu.memory_space<vmem>>, %arg2: memref<128x128xf32, #tpu.memory_space<vmem>>, %arg3: memref<2x512x16xf32, #tpu.memory_space<vmem>>, %arg4: memref<512x128xf32, #tpu.memory_space<vmem>>) attributes {dimension_semantics = [#tpu.dimension_semantics<arbitrary>], iteration_bounds = array<i64: 20>, scalar_prefetch = 0 : i64, scratch_operands = 0 : i64, tpu.core_type = #tpu.core_type<tc>, window_params = [{transform_indices = @transform_0, window_bounds = array<i64: 512, 128>}, {pipeline_mode = #tpu.pipeline_mode<synchronous>, transform_indices = @transform_1, window_bounds = array<i64: 128, 128>}, {transform_indices = @transform_2, window_bounds = array<i64: 2, 512, 16>}, {transform_indices = @transform_3, window_bounds = array<i64: 512, 128>}]} {
    %get3A = arith.constant 0 : index
    %get3A_0 = arith.constant 0 : index
    %get3A_1 = arith.constant 0 : index
    %get3A_2 = vector.load %arg3[%get3A, %get3A_0, %get3A_1] : memref<2x512x16xf32, #tpu.memory_space<vmem>>, vector<1x512x1xf32>
    %get3A_3 = vector.shape_cast %get3A_2 : vector<1x512x1xf32> to vector<512x1xf32>
    %get3A_4 = arith.constant 1 : index
    %get3A_5 = arith.constant 0 : index
    %get3A_6 = arith.constant 0 : index
    %get3A_7 = vector.load %arg3[%get3A_4, %get3A_5, %get3A_6] : memref<2x512x16xf32, #tpu.memory_space<vmem>>, vector<1x512x1xf32>
    %get3A_8 = vector.shape_cast %get3A_7 : vector<1x512x1xf32> to vector<512x1xf32>
    %add3A = arith.addf %get3A_3, %get3A_8 : vector<512x1xf32>
    %add3A_9 = arith.constant 1.000000e+00 : f32
    %add3A_10 = vector.broadcast %add3A_9 : f32 to vector<512x1xf32>
    %add3A_11 = arith.addf %add3A_10, %add3A : vector<512x1xf32>
    %rsqrt3A = math.rsqrt %add3A_11 : vector<512x1xf32>
    %iota3A = tpu.iota {dimensions = array<i32: 0>} : vector<512x1xi32>
    %mul3A = arith.constant 512 : i32
    %mul3A_12 = arith.muli %arg0, %mul3A : i32
    %add3A_13 = vector.broadcast %mul3A_12 : i32 to vector<512x1xi32>
    %add3A_14 = arith.addi %iota3A, %add3A_13 : vector<512x1xi32>
    %lt3A = arith.constant 10000 : i32
    %lt3A_15 = vector.broadcast %lt3A : i32 to vector<512x1xi32>
    %lt3A_16 = arith.cmpi slt, %add3A_14, %lt3A_15 : vector<512x1xi32>
    %get3A_17 = arith.constant 0 : index
    %get3A_18 = arith.constant 0 : index
    %get3A_19 = vector.load %arg1[%get3A_17, %get3A_18] : memref<512x128xf32, #tpu.memory_space<vmem>>, vector<512x128xf32>
    %get3A_20 = arith.constant 0 : index
    %get3A_21 = arith.constant 0 : index
    %get3A_22 = vector.load %arg2[%get3A_20, %get3A_21] : memref<128x128xf32, #tpu.memory_space<vmem>>, vector<128x128xf32>
    %dot_general3A = arith.constant dense<0.000000e+00> : vector<512x128xf32>
    %dot_general3A_23 = tpu.matmul %get3A_19, %get3A_22, %dot_general3A {dimension_numbers = #tpu.dot_dimension_numbers<[1], [0], [0], [1], [0, 0, 1, 1], [], []>, transpose_lhs_hint = false} : vector<512x128xf32>, vector<128x128xf32>, vector<512x128xf32> -> vector<512x128xf32>
    %mul3A_24 = vector.broadcast %rsqrt3A : vector<512x1xf32> to vector<512x128xf32>
    %mul3A_25 = arith.mulf %dot_general3A_23, %mul3A_24 : vector<512x128xf32>
    %jit3A = arith.constant 0.000000e+00 : f32
    %broadcast_in_dim3A = vector.shape_cast %lt3A_16 : vector<512x1xi1> to vector<512x1xi1>
    %broadcast_in_dim3A_26 = vector.broadcast %broadcast_in_dim3A : vector<512x1xi1> to vector<512x128xi1>
    %broadcast_in_dim3A_27 = vector.broadcast %jit3A : f32 to vector<512x128xf32>
    %select_n3A = arith.select %broadcast_in_dim3A_26, %mul3A_25, %broadcast_in_dim3A_27 : vector<512x128xi1>, vector<512x128xf32>
    %swap3A = arith.constant 0 : index
    %swap3A_28 = arith.constant 0 : index
    %swap3A_29 = vector.load %arg4[%swap3A, %swap3A_28] : memref<512x128xf32, #tpu.memory_space<vmem>>, vector<512x128xf32>
    tpu.vector_store %arg4[%swap3A, %swap3A_28], %select_n3A {strides = array<i32>} : memref<512x128xf32, #tpu.memory_space<vmem>>, vector<512x128xf32>,
    return
  }
  func.func @transform_0(%arg0: i32) -> (i32, i32) {
    %c0_i32 = arith.constant 0 : i32
    %c0_i32_0 = arith.constant 0 : i32
    return %arg0, %c0_i32 : i32, i32
  }
  func.func @transform_1(%arg0: i32) -> (i32, i32) {
    %c0_i32 = arith.constant 0 : i32
    %c0_i32_0 = arith.constant 0 : i32
    %c0_i32_1 = arith.constant 0 : i32
    return %c0_i32, %c0_i32_0 : i32, i32
  }
  func.func @transform_2(%arg0: i32) -> (i32, i32, i32) {
    %c0_i32 = arith.constant 0 : i32
    %c0_i32_0 = arith.constant 0 : i32
    %c0_i32_1 = arith.constant 0 : i32
    return %c0_i32, %arg0, %c0_i32_0 : i32, i32, i32
  }
  func.func @transform_3(%arg0: i32) -> (i32, i32) {
    %c0_i32 = arith.constant 0 : i32
    %c0_i32_0 = arith.constant 0 : i32
    return %arg0, %c0_i32 : i32, i32
  }
}

module attributes {stable_mosaic.version = 14 : i64} {
  func.func @_stage2_body(%arg0: i32, %arg1: memref<2x512x128xf32, #tpu.memory_space<vmem>>, %arg2: memref<512x128xf32, #tpu.memory_space<vmem>>, %arg3: memref<2x512x16xf32, #tpu.memory_space<vmem>>, %arg4: memref<1x128xf32, #tpu.memory_space<vmem>>, %arg5: memref<512x128xf32, #tpu.memory_space<vmem>>) attributes {dimension_semantics = [#tpu.dimension_semantics<arbitrary>], iteration_bounds = array<i64: 20>, scalar_prefetch = 0 : i64, scratch_operands = 0 : i64, tpu.core_type = #tpu.core_type<tc>, window_params = [{transform_indices = @transform_0, window_bounds = array<i64: 2, 512, 128>}, {transform_indices = @transform_1, window_bounds = array<i64: 512, 128>}, {transform_indices = @transform_2, window_bounds = array<i64: 2, 512, 16>}, {pipeline_mode = #tpu.pipeline_mode<synchronous>, transform_indices = @transform_3, window_bounds = array<i64: 1, 128>}, {transform_indices = @transform_4, window_bounds = array<i64: 512, 128>}]} {
    %get3A = arith.constant 0 : index
    %get3A_0 = arith.constant 0 : index
    %get3A_1 = arith.constant 0 : index
    %get3A_2 = vector.load %arg3[%get3A, %get3A_0, %get3A_1] : memref<2x512x16xf32, #tpu.memory_space<vmem>>, vector<1x512x1xf32>
    %get3A_3 = vector.shape_cast %get3A_2 : vector<1x512x1xf32> to vector<512x1xf32>
    %get3A_4 = arith.constant 1 : index
    %get3A_5 = arith.constant 0 : index
    %get3A_6 = arith.constant 0 : index
    %get3A_7 = vector.load %arg3[%get3A_4, %get3A_5, %get3A_6] : memref<2x512x16xf32, #tpu.memory_space<vmem>>, vector<1x512x1xf32>
    %get3A_8 = vector.shape_cast %get3A_7 : vector<1x512x1xf32> to vector<512x1xf32>
    %add3A = arith.addf %get3A_3, %get3A_8 : vector<512x1xf32>
    %add3A_9 = arith.constant 1.000000e+00 : f32
    %add3A_10 = vector.broadcast %add3A_9 : f32 to vector<512x1xf32>
    %add3A_11 = arith.addf %add3A_10, %add3A : vector<512x1xf32>
    %rsqrt3A = math.rsqrt %add3A_11 : vector<512x1xf32>
    %iota3A = tpu.iota {dimensions = array<i32: 0>} : vector<512x1xi32>
    %mul3A = arith.constant 512 : i32
    %mul3A_12 = arith.muli %arg0, %mul3A : i32
    %add3A_13 = vector.broadcast %mul3A_12 : i32 to vector<512x1xi32>
    %add3A_14 = arith.addi %iota3A, %add3A_13 : vector<512x1xi32>
    %lt3A = arith.constant 10000 : i32
    %lt3A_15 = vector.broadcast %lt3A : i32 to vector<512x1xi32>
    %lt3A_16 = arith.cmpi slt, %add3A_14, %lt3A_15 : vector<512x1xi32>
    %get3A_17 = arith.constant 0 : index
    %get3A_18 = arith.constant 0 : index
    %get3A_19 = arith.constant 0 : index
    %get3A_20 = vector.load %arg1[%get3A_17, %get3A_18, %get3A_19] : memref<2x512x128xf32, #tpu.memory_space<vmem>>, vector<1x512x128xf32>
    %get3A_21 = vector.shape_cast %get3A_20 : vector<1x512x128xf32> to vector<512x128xf32>
    %get3A_22 = arith.constant 1 : index
    %get3A_23 = arith.constant 0 : index
    %get3A_24 = arith.constant 0 : index
    %get3A_25 = vector.load %arg1[%get3A_22, %get3A_23, %get3A_24] : memref<2x512x128xf32, #tpu.memory_space<vmem>>, vector<1x512x128xf32>
    %get3A_26 = vector.shape_cast %get3A_25 : vector<1x512x128xf32> to vector<512x128xf32>
    %add3A_27 = arith.addf %get3A_21, %get3A_26 : vector<512x128xf32>
    %get3A_28 = arith.constant 0 : index
    %get3A_29 = arith.constant 0 : index
    %get3A_30 = vector.load %arg2[%get3A_28, %get3A_29] : memref<512x128xf32, #tpu.memory_space<vmem>>, vector<512x128xf32>
    %add3A_31 = arith.addf %add3A_27, %get3A_30 : vector<512x128xf32>
    %mul3A_32 = vector.broadcast %rsqrt3A : vector<512x1xf32> to vector<512x128xf32>
    %mul3A_33 = arith.mulf %add3A_31, %mul3A_32 : vector<512x128xf32>
    %get3A_34 = arith.constant 0 : index
    %get3A_35 = arith.constant 0 : index
    %get3A_36 = vector.load %arg4[%get3A_34, %get3A_35] : memref<1x128xf32, #tpu.memory_space<vmem>>, vector<1x128xf32>
    %add3A_37 = vector.broadcast %get3A_36 : vector<1x128xf32> to vector<512x128xf32>
    %add3A_38 = arith.addf %mul3A_33, %add3A_37 : vector<512x128xf32>
    %max3A = arith.constant 0.000000e+00 : f32
    %max3A_39 = vector.broadcast %max3A : f32 to vector<512x128xf32>
    %max3A_40 = arith.maximumf %add3A_38, %max3A_39 : vector<512x128xf32>
    %mul3A_41 = vector.broadcast %rsqrt3A : vector<512x1xf32> to vector<512x128xf32>
    %mul3A_42 = arith.mulf %max3A_40, %mul3A_41 : vector<512x128xf32>
    %jit3A = arith.constant 0.000000e+00 : f32
    %broadcast_in_dim3A = vector.shape_cast %lt3A_16 : vector<512x1xi1> to vector<512x1xi1>
    %broadcast_in_dim3A_43 = vector.broadcast %broadcast_in_dim3A : vector<512x1xi1> to vector<512x128xi1>
    %broadcast_in_dim3A_44 = vector.broadcast %jit3A : f32 to vector<512x128xf32>
    %select_n3A = arith.select %broadcast_in_dim3A_43, %mul3A_42, %broadcast_in_dim3A_44 : vector<512x128xi1>, vector<512x128xf32>
    %swap3A = arith.constant 0 : index
    %swap3A_45 = arith.constant 0 : index
    %swap3A_46 = vector.load %arg5[%swap3A, %swap3A_45] : memref<512x128xf32, #tpu.memory_space<vmem>>, vector<512x128xf32>
    tpu.vector_store %arg5[%swap3A, %swap3A_45], %select_n3A {strides = array<i32>} : memref<512x128xf32, #tpu.memory_space<vmem>>, vector<512x128xf32>,
    return
  }
  func.func @transform_0(%arg0: i32) -> (i32, i32, i32) {
    %c0_i32 = arith.constant 0 : i32
    %c0_i32_0 = arith.constant 0 : i32
    %c0_i32_1 = arith.constant 0 : i32
    return %c0_i32, %arg0, %c0_i32_0 : i32, i32, i32
  }
  func.func @transform_1(%arg0: i32) -> (i32, i32) {
    %c0_i32 = arith.constant 0 : i32
    %c0_i32_0 = arith.constant 0 : i32
    return %arg0, %c0_i32 : i32, i32
  }
  func.func @transform_2(%arg0: i32) -> (i32, i32, i32) {
    %c0_i32 = arith.constant 0 : i32
    %c0_i32_0 = arith.constant 0 : i32
    %c0_i32_1 = arith.constant 0 : i32
    return %c0_i32, %arg0, %c0_i32_0 : i32, i32, i32
  }
  func.func @transform_3(%arg0: i32) -> (i32, i32) {
    %c0_i32 = arith.constant 0 : i32
    %c0_i32_0 = arith.constant 0 : i32
    %c0_i32_1 = arith.constant 0 : i32
    return %c0_i32, %c0_i32_0 : i32, i32
  }
  func.func @transform_4(%arg0: i32) -> (i32, i32) {
    %c0_i32 = arith.constant 0 : i32
    %c0_i32_0 = arith.constant 0 : i32
    return %arg0, %c0_i32 : i32, i32
  }
}

module attributes {stable_mosaic.version = 14 : i64} {
  func.func @_stage3_body(%arg0: i32, %arg1: memref<2x512x128xf32, #tpu.memory_space<vmem>>, %arg2: memref<512x128xf32, #tpu.memory_space<vmem>>, %arg3: memref<2x512x16xf32, #tpu.memory_space<vmem>>, %arg4: memref<128x128xf32, #tpu.memory_space<vmem>>, %arg5: memref<1x128xf32, #tpu.memory_space<vmem>>, %arg6: memref<512x128xf32, #tpu.memory_space<vmem>>) attributes {dimension_semantics = [#tpu.dimension_semantics<arbitrary>], iteration_bounds = array<i64: 20>, scalar_prefetch = 0 : i64, scratch_operands = 0 : i64, tpu.core_type = #tpu.core_type<tc>, window_params = [{transform_indices = @transform_0, window_bounds = array<i64: 2, 512, 128>}, {transform_indices = @transform_1, window_bounds = array<i64: 512, 128>}, {transform_indices = @transform_2, window_bounds = array<i64: 2, 512, 16>}, {pipeline_mode = #tpu.pipeline_mode<synchronous>, transform_indices = @transform_3, window_bounds = array<i64: 128, 128>}, {pipeline_mode = #tpu.pipeline_mode<synchronous>, transform_indices = @transform_4, window_bounds = array<i64: 1, 128>}, {transform_indices = @transform_5, window_bounds = array<i64: 512, 128>}]} {
    %get3A = arith.constant 0 : index
    %get3A_0 = arith.constant 0 : index
    %get3A_1 = arith.constant 0 : index
    %get3A_2 = vector.load %arg3[%get3A, %get3A_0, %get3A_1] : memref<2x512x16xf32, #tpu.memory_space<vmem>>, vector<1x512x1xf32>
    %get3A_3 = vector.shape_cast %get3A_2 : vector<1x512x1xf32> to vector<512x1xf32>
    %get3A_4 = arith.constant 1 : index
    %get3A_5 = arith.constant 0 : index
    %get3A_6 = arith.constant 0 : index
    %get3A_7 = vector.load %arg3[%get3A_4, %get3A_5, %get3A_6] : memref<2x512x16xf32, #tpu.memory_space<vmem>>, vector<1x512x1xf32>
    %get3A_8 = vector.shape_cast %get3A_7 : vector<1x512x1xf32> to vector<512x1xf32>
    %add3A = arith.addf %get3A_3, %get3A_8 : vector<512x1xf32>
    %add3A_9 = arith.constant 1.000000e+00 : f32
    %add3A_10 = vector.broadcast %add3A_9 : f32 to vector<512x1xf32>
    %add3A_11 = arith.addf %add3A_10, %add3A : vector<512x1xf32>
    %rsqrt3A = math.rsqrt %add3A_11 : vector<512x1xf32>
    %get3A_12 = arith.constant 0 : index
    %get3A_13 = arith.constant 0 : index
    %get3A_14 = arith.constant 0 : index
    %get3A_15 = vector.load %arg1[%get3A_12, %get3A_13, %get3A_14] : memref<2x512x128xf32, #tpu.memory_space<vmem>>, vector<1x512x128xf32>
    %get3A_16 = vector.shape_cast %get3A_15 : vector<1x512x128xf32> to vector<512x128xf32>
    %get3A_17 = arith.constant 1 : index
    %get3A_18 = arith.constant 0 : index
    %get3A_19 = arith.constant 0 : index
    %get3A_20 = vector.load %arg1[%get3A_17, %get3A_18, %get3A_19] : memref<2x512x128xf32, #tpu.memory_space<vmem>>, vector<1x512x128xf32>
    %get3A_21 = vector.shape_cast %get3A_20 : vector<1x512x128xf32> to vector<512x128xf32>
    %add3A_22 = arith.addf %get3A_16, %get3A_21 : vector<512x128xf32>
    %get3A_23 = arith.constant 0 : index
    %get3A_24 = arith.constant 0 : index
    %get3A_25 = vector.load %arg2[%get3A_23, %get3A_24] : memref<512x128xf32, #tpu.memory_space<vmem>>, vector<512x128xf32>
    %add3A_26 = arith.addf %add3A_22, %get3A_25 : vector<512x128xf32>
    %mul3A = vector.broadcast %rsqrt3A : vector<512x1xf32> to vector<512x128xf32>
    %mul3A_27 = arith.mulf %add3A_26, %mul3A : vector<512x128xf32>
    %get3A_28 = arith.constant 0 : index
    %get3A_29 = arith.constant 0 : index
    %get3A_30 = vector.load %arg4[%get3A_28, %get3A_29] : memref<128x128xf32, #tpu.memory_space<vmem>>, vector<128x128xf32>
    %dot_general3A = arith.constant dense<0.000000e+00> : vector<512x128xf32>
    %dot_general3A_31 = tpu.matmul %mul3A_27, %get3A_30, %dot_general3A {dimension_numbers = #tpu.dot_dimension_numbers<[1], [0], [0], [1], [0, 0, 1, 1], [], []>, transpose_lhs_hint = false} : vector<512x128xf32>, vector<128x128xf32>, vector<512x128xf32> -> vector<512x128xf32>
    %get3A_32 = arith.constant 0 : index
    %get3A_33 = arith.constant 0 : index
    %get3A_34 = vector.load %arg5[%get3A_32, %get3A_33] : memref<1x128xf32, #tpu.memory_space<vmem>>, vector<1x128xf32>
    %add3A_35 = vector.broadcast %get3A_34 : vector<1x128xf32> to vector<512x128xf32>
    %add3A_36 = arith.addf %dot_general3A_31, %add3A_35 : vector<512x128xf32>
    %swap3A = arith.constant 0 : index
    %swap3A_37 = arith.constant 0 : index
    %swap3A_38 = vector.load %arg6[%swap3A, %swap3A_37] : memref<512x128xf32, #tpu.memory_space<vmem>>, vector<512x128xf32>
    tpu.vector_store %arg6[%swap3A, %swap3A_37], %add3A_36 {strides = array<i32>} : memref<512x128xf32, #tpu.memory_space<vmem>>, vector<512x128xf32>,
    return
  }
  func.func @transform_0(%arg0: i32) -> (i32, i32, i32) {
    %c0_i32 = arith.constant 0 : i32
    %c0_i32_0 = arith.constant 0 : i32
    %c0_i32_1 = arith.constant 0 : i32
    return %c0_i32, %arg0, %c0_i32_0 : i32, i32, i32
  }
  func.func @transform_1(%arg0: i32) -> (i32, i32) {
    %c0_i32 = arith.constant 0 : i32
    %c0_i32_0 = arith.constant 0 : i32
    return %arg0, %c0_i32 : i32, i32
  }
  func.func @transform_2(%arg0: i32) -> (i32, i32, i32) {
    %c0_i32 = arith.constant 0 : i32
    %c0_i32_0 = arith.constant 0 : i32
    %c0_i32_1 = arith.constant 0 : i32
    return %c0_i32, %arg0, %c0_i32_0 : i32, i32, i32
  }
  func.func @transform_3(%arg0: i32) -> (i32, i32) {
    %c0_i32 = arith.constant 0 : i32
    %c0_i32_0 = arith.constant 0 : i32
    %c0_i32_1 = arith.constant 0 : i32
    return %c0_i32, %c0_i32_0 : i32, i32
  }
  func.func @transform_4(%arg0: i32) -> (i32, i32) {
    %c0_i32 = arith.constant 0 : i32
    %c0_i32_0 = arith.constant 0 : i32
    %c0_i32_1 = arith.constant 0 : i32
    return %c0_i32, %c0_i32_0 : i32, i32
  }
  func.func @transform_5(%arg0: i32) -> (i32, i32) {
    %c0_i32 = arith.constant 0 : i32
    %c0_i32_0 = arith.constant 0 : i32
    return %arg0, %c0_i32 : i32, i32
  }
}

</mosaic_0001>

<sc_bundles>
// kernel: kernel.11.cloned.1.call-start
scs
__scs_entry_jumppad:
0x0: {  	(pc) =	sbr.rel $0x88, $3  }
0x1: {  	(tag) =	ssettag $0x0;
	lr =	simm.s32 $0x1  }
0x2: {  	[smem:$0x3F99] =	sst lr;
	_ =	strace $0xD0000000  }
0x3: {  	_ = 	snop  }
0x4: {  	_ = 	snop  }
0x5: {  	_ = 	snop  }
0x6: {  	_ = 	snop  }
0x7: {  	_ = 	snop  }
__scs_overlays_trampoline_lowered:
0x8: {  	[smem:$0x3FA8] =	sst s0  }
0x9: {  	[smem:$0x3FA9] =	sst s1  }
0xa: {  	[smem:$0x3FAA] =	sst s2  }
0xb: {  	[smem:$0x3FAB] =	sst s3  }
0xc: {  	[smem:$0x3FAC] =	sst s4  }
0xd: {  	[smem:$0x3FAD] =	sst s5  }
0xe: {  	[smem:$0x3FAE] =	sst s6  }
0xf: {  	[smem:$0x3FAF] =	sst s7  }
0x10: {  	[smem:$0x3FB0] =	sst s8  }
0x11: {  	[smem:$0x3FB1] =	sst s9;
	s0 =	simm.s32 @!p0 $0x0  }
0x12: {  	s1 =	sld [smem:$0x3F97];
	s0 =	simm.s32 @p0 $0x1  }
0x13: {  	[smem:$0x3FB2] =	sst s0;
	s0 =	simm.s32 @!p1 $0x0  }
0x14: {  	s2 =	sld [smem:$0x3F96];
	s0 =	simm.s32 @p1 $0x1  }
0x15: {  	[smem:$0x3FB3] =	sst s0;
	s0 =	simm.s32 @!p2 $0x0  }
0x16: {  	s3 =	sld [smem:$0x3FDB];
	s0 =	simm.s32 @p2 $0x1  }
0x17: {  	s4 =	simm.s32 $0x1BF5;
	[smem:$0x3FB5] =	sst s0  }
0x18: {  	s0 =	sld [smem:$0x3F98];
	_ =	swait.ge [sflag:s4], $0x0  }
0x19: {  	s7 =	sld [smem:$0x3F99]  }
0x1a: {  	s8 =	sadd.s32 $0xFFFFE003, lr  }
0x1b: {  	s9 =	sadd.s32 $0xFFFFFEF7, lr;
	s5 =	simm.s32 $0xFFFFFFFF;
	p2 =	slt.u32 s8, $0xFFFFF086  }
0x1c: {  	p1 =	slt.u32 s9, $0xF7A;
	s5 =	simm.s32 @!p2 $0x0  }
0x1d: {  	s5 =	simm.s32 @p1 $0x1;
	p0 =	seq.s32 s7, s2  }
0x1e: {  	s7 =	smul.u32 @!p0 $0xF7A, s2;
	p2 =	seq.s32 @!p0 s5, $0x0  }
0x1f: {  	s9 =	smul.u32 $0xF7A, s1;
	s8 =	simm.s32 @!p0 $0x1BF5;
	p2 =	por !p2, p0  }
0x20: {  	[sflag:s8] =	ssyncset.s32 @!p0 $0xFFFFF086;
	s6 =	sadd.s32 @!p0 s3, s7;
	s7 =	simm.s32 @!p0 $0x108  }
0x21: {  	s3 =	sadd.s32 s3, s9;
	s6 =	sadd.s32 @!p0 $0x88, s6;
	s7 =	simm.s32 @p2 $0x1082  }
0x22: {  	[simem:s7], [sflag:s8] =	dma.local @!p0 [hbm:s6], $0xF7A  }
0x23: {  	s9 =	sor.u32 $0xD0000000, s2;
	s6 =	simm.s32 $0x108;
	_ =	swait.ge @!p0 [sflag:s8], $0x0  }
0x24: {  	s3 =	sadd.s32 $0x88, s3;
	s6 =	simm.s32 @!p1 $0x1082;
	[sflag:s4] =	ssyncset.s32 $0xFFFFF086  }
0x25: {  	[simem:s6], [sflag:s4] =	dma.local [hbm:s3], $0xF7A  }
0x26: {  	[smem:$0x3F99] =	sst s1;
	(tag) =	ssettag s2;
	_ =	strace s9  }
0x27: {  	s1 =	sld [smem:$0x3FA9]  }
0x28: {  	s2 =	sld [smem:$0x3FAA]  }
0x29: {  	s4 =	sld [smem:$0x3FAC]  }
0x2a: {  	p0 =	seq.s32 s5, $0x0;
	s5 =	sld [smem:$0x3FAD]  }
0x2b: {  	s6 =	sld [smem:$0x3FAE]  }
0x2c: {  	s7 =	sld [smem:$0x3FAF]  }
0x2d: {  	s3 =	simm.s32 $0x108;
	s8 =	sld [smem:$0x3FB0]  }
0x2e: {  	s3 =	simm.s32 @!p0 $0x1082;
	s9 =	sld [smem:$0x3FB1]  }
0x2f: {  	lr =	sadd.s32 s0, s3;
	s0 =	sld [smem:$0x3FA8]  }
0x30: {  	s3 =	sld [smem:$0x3FAB]  }
0x31: {  	[smem:$0x3FB4] =	sst s10  }
0x32: {  	s10 =	sld [smem:$0x3FB2];
	_ =	sdelay $0x3  }
0x33: {  	p0 =	seq.s32 s10, $0x1;
	s10 =	sld [smem:$0x3FB4];
	_ =	sdelay $0x3  }
0x34: {  	[smem:$0x3FB4] =	sst s10  }
0x35: {  	s10 =	sld [smem:$0x3FB3];
	_ =	sdelay $0x3  }
0x36: {  	p1 =	seq.s32 s10, $0x1;
	s10 =	sld [smem:$0x3FB4];
	_ =	sdelay $0x3  }
0x37: {  	[smem:$0x3FB4] =	sst s10  }
0x38: {  	s10 =	sld [smem:$0x3FB5]  }
0x39: {  	_ = 	snop;
	(pc) =	sbr.ind lr, $3  }
0x3a: {  	_ = 	snop  }
0x3b: {  	_ = 	snop  }
0x3c: {  	p2 =	seq.s32 s10, $0x1;
	s10 =	sld [smem:$0x3FB4]  }
0x3d: {  	_ =	shalt  }
0x3e: {  	_ =	shalt  }
0x3f: {  	_ =	shalt  }
0x40: {  	_ =	shalt  }
0x41: {  	_ =	shalt  }
0x42: {  	_ =	shalt  }
0x43: {  	_ =	shalt  }
0x44: {  	_ =	shalt  }
0x45: {  	_ =	shalt  }
0x46: {  	_ =	shalt  }
0x47: {  	_ =	shalt  }
0x48: {  	_ =	shalt  }
0x49: {  	_ =	shalt  }
0x4a: {  	_ =	shalt  }
0x4b: {  	_ =	shalt  }
0x4c: {  	_ =	shalt  }
0x4d: {  	_ =	shalt  }
0x4e: {  	_ =	shalt  }
0x4f: {  	_ =	shalt  }
0x50: {  	_ =	shalt  }
0x51: {  	_ =	shalt  }
0x52: {  	_ =	shalt  }
0x53: {  	_ =	shalt  }
0x54: {  	_ =	shalt  }
0x55: {  	_ =	shalt  }
0x56: {  	_ =	shalt  }
0x57: {  	_ =	shalt  }
0x58: {  	_ =	shalt  }
0x59: {  	_ =	shalt  }
0x5a: {  	_ =	shalt  }
0x5b: {  	_ =	shalt  }
0x5c: {  	_ =	shalt  }
0x5d: {  	_ =	shalt  }
0x5e: {  	_ =	shalt  }
0x5f: {  	_ =	shalt  }
0x60: {  	_ =	shalt  }
0x61: {  	_ =	shalt  }
0x62: {  	_ =	shalt  }
0x63: {  	_ =	shalt  }
0x64: {  	_ =	shalt  }
0x65: {  	_ =	shalt  }
0x66: {  	_ =	shalt  }
0x67: {  	_ =	shalt  }
0x68: {  	_ =	shalt  }
0x69: {  	_ =	shalt  }
0x6a: {  	_ =	shalt  }
0x6b: {  	_ =	shalt  }
0x6c: {  	_ =	shalt  }
0x6d: {  	_ =	shalt  }
0x6e: {  	_ =	shalt  }
0x6f: {  	_ =	shalt  }
0x70: {  	_ =	shalt  }
0x71: {  	_ =	shalt  }
0x72: {  	_ =	shalt  }
0x73: {  	_ =	shalt  }
0x74: {  	_ =	shalt  }
0x75: {  	_ =	shalt  }
0x76: {  	_ =	shalt  }
0x77: {  	_ =	shalt  }
0x78: {  	_ =	shalt  }
0x79: {  	_ =	shalt  }
0x7a: {  	_ =	shalt  }
0x7b: {  	_ =	shalt  }
0x7c: {  	_ =	shalt  }
0x7d: {  	_ =	shalt  }
0x7e: {  	_ =	shalt  }
0x7f: {  	_ =	shalt  }
0x80: {  	_ =	shalt  }
0x81: {  	_ =	shalt  }
0x82: {  	_ =	shalt  }
0x83: {  	_ =	shalt  }
0x84: {  	_ =	shalt  }
0x85: {  	_ =	shalt  }
0x86: {  	_ =	shalt  }
0x87: {  	_ =	shalt  }
.Lfunc_end0:
.L_simem_size_0:
called_computation.1_lowered:
.L_overlay_start_0:
0x88: {  	s2 =	sld [smem:$0x3FD9]  }
0x89: {  	s3 =	sld [smem:$0x3FFE];
	_ =	sdelay $0x1  }
0x8a: {  	s1 =	srdreg.scid  }
0x8b: {  	s0 =	sand.u32 $0x1, s1  }
0x8c: {  	s14 =	sshll.u32 s0, $0xA;
	s2 =	sadd.s32 s3, s2  }
0x8d: {  	s2 =	sadd.s32 s2, s14  }
0x8e: {  	[smem:$0x3FC0] =	sst s2  }
0x8f: {  	_ = 	snop  }
0x90: {  	s2 =	sld [smem:$0x3FD0];
	_ =	sdelay $0x2  }
0x91: {  	s15 =	simm.s32 $0xA;
	s4 =	simm.s32 $0x10  }
0x92: {  	[smem:s4], [sflag:s15] =	dma.local [hbm:s2], $0x1  }
0x93: {  	_ =	swait.eq [sflag:s15], $0x1  }
0x94: {  	[sflag:s15] =	ssyncset.done $0x0  }
0x95: {  	s16 =	sld [smem:$0x10];
	[sflag:s15] =	ssyncadd.s32 $0xFFFFFFFF  }
0x96: {  	s17 =	sld [smem:$0x11];
	(tm) =	ssettm $0x1  }
0x97: {  	s18 =	sld [smem:$0x3FFB];
	_ =	sdelay $0x3  }
0x98: {  	_ =	strace s18  }
0x99: {  	s4 =	sld [smem:$0x3FFC];
	_ =	sdelay $0x3  }
0x9a: {  	_ =	strace s4  }
0x9b: {  	s4 =	sld [smem:$0x3FFD];
	_ =	sdelay $0x3  }
0x9c: {  	_ =	strace s4  }
0x9d: {  	_ =	strace $0x8FFFFFFF  }
0x9e: {  	s19 =	sld [smem:$0x3FDB];
	_ =	sdelay $0x1  }
0x9f: {  	s5 =	simm.s32 $_scs_section_size  }
0xa0: {  	s6 =	simm.s32 $_size__tile_overlayer_lowered;
	s7 =	simm.s32 $_tile_overlayer_lowered  }
0xa1: {  	s22 =	simm.s32 $0x1BFF;
	s21 =	sshll.u32 s7, $0x1;
	s4 =	sadd.s32 s5, s19  }
0xa2: {  	s8 =	simm.s32 $0x0;
	s20 =	sshll.u32 s6, $0x1;
	s6 =	sadd.s32 s21, s4  }
0xa3: {  	[timem:s8], [sflag:s22] =	dma.local [hbm:s6], s20  }
0xa4: {  	_ =	swait.ge [sflag:s22], s20  }
0xa5: {  	s5 =	ssub.s32 $0x0, s20;
	[sflag:s22] =	ssyncset.done $0x0  }
0xa6: {  	[sflag:s22] =	ssyncadd.s32 s5;
	_ =	sdelay $0x1  }
0xa7: {  	s23 =	simm.s32 $0x1B8B  }
0xa8: {  	_ =	swait.ge [sflag:s23], $0x1  }
0xa9: {  	[sflag:s23] =	ssyncset.done $0x0  }
0xaa: {  	s25 =	simm.s32 $0x1B8E;
	s24 =	sld [smem:$0x3FFE];
	[sflag:s23] =	ssyncadd.s32 $0xFFFFFFFF  }
0xab: {  	s26 =	simm.s32 $execute0_lowered;
	[smem:$0x3FD2] =	sst s25  }
0xac: {  	s6 =	sshll.u32 s26, $0x1;
	_ =	strace $0x80000049;
	[dreg:$0x1] =	wrdreg $0xFFFFFFFF  }
0xad: {  	s28 =	simm.s32 $_size_execute0_lowered;
	s4 =	sadd.s32 s4, s6;
	[dreg:$0x0] =	wrdreg $0x0  }
0xae: {  	s6 =	sshll.u32 s28, $0x1;
	[dreg:$0x2] =	wrdreg s4  }
0xaf: {  	[dreg:$0x3] =	wrdreg s6  }
0xb0: {  	[dreg:$0x4] =	wrdreg $0xC0  }
0xb1: {  	_ =	task [dreg:s8], $0x5FFFF  }
0xb2: {  	[dreg:$0x1] =	wrdreg $0xFFFFFFFF  }
0xb3: {  	[dreg:$0x0] =	wrdreg $0x60  }
0xb4: {  	[dreg:$0x2] =	wrdreg s24  }
0xb5: {  	[dreg:$0x3] =	wrdreg s16  }
0xb6: {  	[dreg:$0x4] =	wrdreg s17  }
0xb7: {  	[dreg:$0x5] =	wrdreg $0x82000  }
0xb8: {  	[dreg:$0x6] =	wrdreg $0x9  }
0xb9: {  	_ =	task.clear_ibuf [dreg:s8], $0x7FFFF;
	_ =	strace $0x90000049  }
0xba: {  	s29 =	simm.s32 $0x9;
	_ =	strace $0x8000004B  }
0xbb: {  	_ =	swait.ge [sflag:s29], $0x1  }
0xbc: {  	[sflag:s29] =	ssyncadd.s32 $0xFFFFFFFF  }
0xbd: {  	_ =	strace $0x9000004B  }
0xbe: {  	_ =	sfence  }
0xbf: {  	s30 =	sld [smem:$0x0];
	_ =	sdelay $0x2  }
0xc0: {  	s31 =	sshll.u32 s1, $0xD;
	s1 =	sshrl.u32 s1, $0x2  }
0xc1: {  	s3 =	sand.u32 $0x4000, s31;
	s1 =	sadd.s32 s1, s30  }
0xc2: {  	s0 =	sor.u32 s3, s0;
	s1 =	sshll.u32 s1, $0x11  }
0xc3: {  	s0 =	sor.u32 s1, s0  }
0xc4: {  	s0 =	sadd.s32 $0x8F2B, s0  }
0xc5: {  	[sflag:s0] =	ssyncadd.remote.s32 $0x1  }
0xc6: {  	_ =	sfence.sel $0xFFFF  }
0xc7: {  	[dreg:$0x0] =	wrdreg $0xFFFFFFFF;
	(pc) =	sbr.abs _section_cstart, $3  }
0xc8: {  	[dreg:$0x1] =	wrdreg $0xFFFFFFFF  }
0xc9: {  	_ =	task.clear_ibuf [dreg:s8], $0x2FFFF;
	_ =	strace $0x9FFFFFFF  }
0xca: {  	(tm) =	ssettm $0x7FFFFFFF  }
0xcb: {  	_ =	shalt  }
tec
execute0_lowered:
.L_overlay_start_1:
0x0: {  	(tag) =	ssettag $0x1  }
0x1: {  	s7 =	rddreg [dreg:$0x0]  }
0x2: {  	s1 =	rddreg [dreg:$0x1]  }
0x3: {  	s3 =	rddreg [dreg:$0x2]  }
0x4: {  	s4 =	rddreg [dreg:$0x3]  }
0x5: {  	s0 =	srdreg.scid;
	s2 =	rddreg [dreg:$0x4];
	s5 =	simm.s32 $0x0  }
0x6: {  	s15 =	simm.s32 $0x200;
	s16 =	simm.s32 $0x5;
	s17 =	simm.s32 $0x80  }
0x7: {  	s18 =	simm.s32 $0x100;
	s19 =	simm.s32 $0x180;
	s20 =	simm.s32 $0x3  }
0x8: {  	s21 =	simm.s32 $0x4;
	s22 =	simm.s32 $0x4200;
	s8 =	sand.u32 $0x1, s0  }
0x9: {  	s23 =	simm.s32 $0x1;
	s0 =	stileid.u32;
	s6 =	smul.u32 $0x140000, s8  }
0xa: {  	s24 =	simm.s32 $0x2;
	s25 =	simm.s32 $0x0;
	s9 =	smul.u32 $0x14000, s0  }
0xb: {  	[smem:$0x7FF] =	sst s5;
	s10 =	smul.u32 $0x50000, s0;
	s30 =	ssub.s32 $0x2, s8  }
0xc: {  	_ =	strace $0x8000004A;
	s8 =	sshll.u32 s8, $0x4;
	s31 =	sshrl.u32 s30, $0x1  }
0xd: {  	s12 =	sor.u32 s0, s8;
	s6 =	sadd.s32 s9, s6;
	s10 =	sshrl.u32 s10, $0x2  }
0xe: {  	s14 =	ssub.s32 s30, s31;
	s12 =	smul.u32 $0x2800, s12;
	s9 =	sshrl.u32 s6, $0x3  }
0xf: {  	s6 =	sadd.s32 $0x52800, s7;
	s13 =	sadd.s32 s9, s7;
	s7 =	sadd.s32 s10, s4  }
0x10: {  	s14 =	smax.u32 s14, $0x1;
	s8 =	sadd.s32 $0x4000, s7;
	s9 =	sadd.s32 $0x8000, s7  }
0x11: {  	v0 =	vimm.f32 $0.0e+00;
	s10 =	sadd.s32 $0xC000, s7;
	s11 =	sadd.s32 $0x10000, s7;
	s13 =	sadd.s32 $0x7A800, s13  }
.LBB2_1:
0x12: {  	s26 =	simm.s32 $0x0;
	s28 =	simm.s32 $0x200  }
.LBB2_2:
0x13: {  	p0 =	sne.s32 s28, $0xFE00;
	[tilespmem:s26+$0x270] =	vst v0  }
0x14: {  	[tilespmem:s26+$0x200] =	vst v0  }
0x15: {  	[tilespmem:s26+$0x210] =	vst v0  }
.Ltmp0:
0x16: {  	[tilespmem:s26+$0x220] =	vst v0;
	(pc) =	sbr.rel @p0 .LBB2_2-.Ltmp0, $4  }
0x17: {  	[tilespmem:s26+$0x230] =	vst v0  }
0x18: {  	[tilespmem:s26+$0x240] =	vst v0  }
0x19: {  	[tilespmem:s26+$0x250] =	vst v0  }
0x1a: {  	[tilespmem:s26+$0x260] =	vst v0;
	s26 =	sshra.s32 s28, $0x2;
	s28 =	sadd.s32 $0x200, s28  }
0x1b: {  	[tilespmem:s26+$0x270] =	vst v0  }
0x1c: {  	[tilespmem:s26+$0x200] =	vst v0  }
0x1d: {  	[tilespmem:s26+$0x210] =	vst v0  }
0x1e: {  	[tilespmem:s26+$0x220] =	vst v0  }
0x1f: {  	[tilespmem:s26+$0x230] =	vst v0  }
0x20: {  	[tilespmem:s26+$0x240] =	vst v0  }
0x21: {  	[tilespmem:s26+$0x250] =	vst v0  }
0x22: {  	[tilespmem:s26+$0x260] =	vst v0  }
0x23: {  	[spmem:s7] =	stream.linear.scatter [tilespmem:s15], [sflag:$0x5], $0x4000, $0x38;
	[tilespmem:$0x1C200] =	vst v63  }
0x24: {  	_ =	swait.ge [sflag:s16], $0x4000  }
0x25: {  	[sflag:s16] =	ssyncset.done $0x0  }
0x26: {  	[sflag:s16] =	ssyncadd.s32 $0xFFFFC000  }
0x27: {  	[spmem:s8] =	stream.linear.scatter [tilespmem:s15], [sflag:$0x5], $0x4000, $0x38;
	[tilespmem:$0x1C200] =	vst v63  }
0x28: {  	_ =	swait.ge [sflag:s16], $0x4000  }
0x29: {  	[sflag:s16] =	ssyncset.done $0x0  }
0x2a: {  	[sflag:s16] =	ssyncadd.s32 $0xFFFFC000  }
0x2b: {  	[spmem:s9] =	stream.linear.scatter [tilespmem:s15], [sflag:$0x5], $0x4000, $0x38;
	[tilespmem:$0x1C200] =	vst v63  }
0x2c: {  	_ =	swait.ge [sflag:s16], $0x4000  }
0x2d: {  	[sflag:s16] =	ssyncset.done $0x0  }
0x2e: {  	[sflag:s16] =	ssyncadd.s32 $0xFFFFC000  }
0x2f: {  	[spmem:s10] =	stream.linear.scatter [tilespmem:s15], [sflag:$0x5], $0x4000, $0x38;
	[tilespmem:$0x1C200] =	vst v63  }
0x30: {  	_ =	swait.ge [sflag:s16], $0x4000  }
0x31: {  	s31 =	simm.s32 $0x0;
	[sflag:s16] =	ssyncset.done $0x0  }
0x32: {  	s28 =	sand.u32 $0x3C00, s31;
	[sflag:s16] =	ssyncadd.s32 $0xFFFFC000  }
0x33: {  	[spmem:s11] =	stream.linear.scatter [tilespmem:s15], [sflag:$0x5], $0x4000, $0x38;
	[tilespmem:$0x1C200] =	vst v63  }
0x34: {  	s26 =	sand.u32 $0x300, s31;
	s28 =	sadd.s32 s12, s28;
	_ =	swait.ge [sflag:s16], $0x4000  }
0x35: {  	s26 =	sor.u32 s26, s28;
	[sflag:s16] =	ssyncset.done $0x0  }
0x36: {  	s26 =	sshrl.u32 s26, $0x3;
	[sflag:s16] =	ssyncadd.s32 $0xFFFFC000  }
0x37: {  	s30 =	sadd.s32 s1, s26;
	s29 =	sor.u32 $0x10, s26;
	[bflag:$0x0] =	sbarrier.arrive $0xFFFF  }
0x38: {  	[tilespmem:s5], [sflag:$0x3] =	stream.linear.gather [hbm4b:s30+s5], $0x80, $0x38;
	[tilespmem:$0x1C200] =	vst v63  }
0x39: {  	s31 =	sadd.s32 s1, s29  }
0x3a: {  	[tilespmem:s17], [sflag:$0x4] =	stream.linear.gather [hbm4b:s31+s5], $0x80, $0x38;
	[tilespmem:$0x1C200] =	vst v63  }
0x3b: {  	s26 =	sadd.s32 s3, s26  }
0x3c: {  	[tilespmem:s18], [sflag:$0x5] =	stream.linear.gather [hbm4b:s26+s5], $0x80, $0x38;
	[tilespmem:$0x1C200] =	vst v63  }
0x3d: {  	_ =	swait.ge [sflag:s16], $0x80  }
0x3e: {  	[sflag:s16] =	ssyncset.done $0x0  }
0x3f: {  	s28 =	sadd.s32 s3, s29;
	[sflag:s16] =	ssyncadd.s32 $0xFFFFFF80  }
0x40: {  	[tilespmem:s19], [sflag:$0x5] =	stream.linear.gather [hbm4b:s28+s5], $0x80, $0x38;
	[tilespmem:$0x1C200] =	vst v63  }
0x41: {  	_ =	swait.ge [sflag:s16], $0x80  }
0x42: {  	[sflag:s16] =	ssyncset.done $0x0  }
0x43: {  	[sflag:s16] =	ssyncadd.s32 $0xFFFFFF80  }
0x44: {  	_ =	swait.ge [sflag:s20], $0x80  }
0x45: {  	[sflag:s20] =	ssyncset.done $0x0  }
0x46: {  	[sflag:s20] =	ssyncadd.s32 $0xFFFFFF80  }
0x47: {  	[tilespmem:s15], [sflag:$0x1] =	stream.indirect.gather [hbm4b:s6+s17], $0x80, s5, s17, $0xb8;
	[tilespmem:$0x1C200] =	vst v63  }
0x48: {  	_ =	swait.ge [sflag:s21], $0x80  }
0x49: {  	[sflag:s21] =	ssyncset.done $0x0  }
0x4a: {  	[sflag:s21] =	ssyncadd.s32 $0xFFFFFF80  }
0x4b: {  	[tilespmem:s22], [sflag:$0x2] =	stream.indirect.gather [hbm4b:s6+s17], $0x80, s17, s17, $0xb8;
	[tilespmem:$0x1C200] =	vst v63  }
0x4c: {  	_ =	swait.ge [sflag:s23], $0x4000  }
0x4d: {  	[sflag:s23] =	ssyncset.done $0x0  }
0x4e: {  	[sflag:s23] =	ssyncadd.s32 $0xFFFFC000  }
0x4f: {  	[spmem:s4] =	stream.indirect.scatter.add.f32 [tilespmem:s15], [sflag:$0x5], $0x80, s18, s17, $0xb8;
	[tilespmem:$0x1C200] =	vst v63  }
0x50: {  	_ =	swait.ge [sflag:s16], $0x4000  }
0x51: {  	s30 =	simm.s32 $0x100;
	[sflag:s16] =	ssyncset.done $0x0  }
0x52: {  	s31 =	sand.u32 $0x3C00, s30;
	[sflag:s16] =	ssyncadd.s32 $0xFFFFC000  }
0x53: {  	s26 =	sand.u32 $0x300, s30;
	s28 =	sadd.s32 s12, s31;
	_ =	swait.ge [sflag:s24], $0x4000  }
0x54: {  	s28 =	sor.u32 s26, s28;
	[sflag:s24] =	ssyncset.done $0x0  }
0x55: {  	s26 =	simm.s32 $0x200;
	s29 =	sshrl.u32 s28, $0x3;
	[sflag:s24] =	ssyncadd.s32 $0xFFFFC000  }
.LBB2_4:
0x56: {  	[spmem:s4] =	stream.indirect.scatter.add.f32 [tilespmem:s22], [sflag:$0x5], $0x80, s19, s17, $0xb8;
	[tilespmem:$0x1C200] =	vst v63  }
0x57: {  	s28 =	smov.u32 s26  }
0x58: {  	p0 =	sne.s32 s26, $0x2700;
	s26 =	sadd.s32 $0x100, s26;
	_ =	swait.ge [sflag:s16], $0x4000  }
0x59: {  	[sflag:s16] =	ssyncset.done $0x0  }
0x5a: {  	s30 =	sadd.s32 s1, s29;
	s31 =	sor.u32 $0x10, s29;
	[sflag:s16] =	ssyncadd.s32 $0xFFFFC000  }
0x5b: {  	[tilespmem:s5], [sflag:$0x3] =	stream.linear.gather [hbm4b:s30+s5], $0x80, $0x38;
	[tilespmem:$0x1C200] =	vst v63  }
0x5c: {  	s30 =	sadd.s32 s1, s31  }
0x5d: {  	[tilespmem:s17], [sflag:$0x4] =	stream.linear.gather [hbm4b:s30+s5], $0x80, $0x38;
	[tilespmem:$0x1C200] =	vst v63  }
0x5e: {  	s29 =	sadd.s32 s3, s29  }
0x5f: {  	[tilespmem:s18], [sflag:$0x5] =	stream.linear.gather [hbm4b:s29+s5], $0x80, $0x38;
	[tilespmem:$0x1C200] =	vst v63  }
0x60: {  	_ =	swait.ge [sflag:s16], $0x80  }
0x61: {  	[sflag:s16] =	ssyncset.done $0x0  }
0x62: {  	s29 =	sadd.s32 s3, s31;
	[sflag:s16] =	ssyncadd.s32 $0xFFFFFF80  }
0x63: {  	[tilespmem:s19], [sflag:$0x5] =	stream.linear.gather [hbm4b:s29+s5], $0x80, $0x38;
	[tilespmem:$0x1C200] =	vst v63  }
0x64: {  	_ =	swait.ge [sflag:s16], $0x80  }
0x65: {  	[sflag:s16] =	ssyncset.done $0x0  }
0x66: {  	[sflag:s16] =	ssyncadd.s32 $0xFFFFFF80  }
0x67: {  	_ =	swait.ge [sflag:s20], $0x80  }
0x68: {  	[sflag:s20] =	ssyncset.done $0x0  }
0x69: {  	[sflag:s20] =	ssyncadd.s32 $0xFFFFFF80  }
0x6a: {  	[tilespmem:s15], [sflag:$0x1] =	stream.indirect.gather [hbm4b:s6+s17], $0x80, s5, s17, $0xb8;
	[tilespmem:$0x1C200] =	vst v63  }
0x6b: {  	_ =	swait.ge [sflag:s21], $0x80  }
0x6c: {  	[sflag:s21] =	ssyncset.done $0x0  }
0x6d: {  	[sflag:s21] =	ssyncadd.s32 $0xFFFFFF80  }
0x6e: {  	[tilespmem:s22], [sflag:$0x2] =	stream.indirect.gather [hbm4b:s6+s17], $0x80, s17, s17, $0xb8;
	[tilespmem:$0x1C200] =	vst v63  }
0x6f: {  	_ =	swait.ge [sflag:s23], $0x4000  }
0x70: {  	[sflag:s23] =	ssyncset.done $0x0  }
0x71: {  	[sflag:s23] =	ssyncadd.s32 $0xFFFFC000  }
0x72: {  	[spmem:s4] =	stream.indirect.scatter.add.f32 [tilespmem:s15], [sflag:$0x5], $0x80, s18, s17, $0xb8;
	[tilespmem:$0x1C200] =	vst v63  }
0x73: {  	_ =	swait.ge [sflag:s16], $0x4000  }
.Ltmp1:
0x74: {  	[sflag:s16] =	ssyncset.done $0x0;
	(pc) =	sbr.rel @p0 .LBB2_4-.Ltmp1, $4  }
0x75: {  	s29 =	sand.u32 $0x3C00, s28;
	[sflag:s16] =	ssyncadd.s32 $0xFFFFC000  }
0x76: {  	s28 =	sand.u32 $0x300, s28;
	s29 =	sadd.s32 s12, s29;
	_ =	swait.ge [sflag:s24], $0x4000  }
0x77: {  	s28 =	sor.u32 s28, s29;
	[sflag:s24] =	ssyncset.done $0x0  }
0x78: {  	s29 =	sshrl.u32 s28, $0x3;
	[sflag:s24] =	ssyncadd.s32 $0xFFFFC000  }
0x79: {  	[spmem:s4] =	stream.indirect.scatter.add.f32 [tilespmem:s22], [sflag:$0x5], $0x80, s19, s17, $0xb8;
	[tilespmem:$0x1C200] =	vst v63  }
0x7a: {  	_ =	swait.ge [sflag:s16], $0x4000  }
0x7b: {  	[sflag:s16] =	ssyncset.done $0x0  }
0x7c: {  	s26 =	sadd.s32 s1, s29;
	s28 =	sor.u32 $0x10, s29;
	[sflag:s16] =	ssyncadd.s32 $0xFFFFC000  }
0x7d: {  	[tilespmem:s5], [sflag:$0x3] =	stream.linear.gather [hbm4b:s26+s5], $0x80, $0x38;
	[tilespmem:$0x1C200] =	vst v63  }
0x7e: {  	s30 =	sadd.s32 s1, s28  }
0x7f: {  	[tilespmem:s17], [sflag:$0x4] =	stream.linear.gather [hbm4b:s30+s5], $0x80, $0x38;
	[tilespmem:$0x1C200] =	vst v63  }
0x80: {  	s31 =	sadd.s32 s3, s29  }
0x81: {  	[tilespmem:s18], [sflag:$0x5] =	stream.linear.gather [hbm4b:s31+s5], $0x80, $0x38;
	[tilespmem:$0x1C200] =	vst v63  }
0x82: {  	_ =	swait.ge [sflag:s16], $0x80  }
0x83: {  	[sflag:s16] =	ssyncset.done $0x0  }
0x84: {  	s29 =	sadd.s32 s3, s28;
	[sflag:s16] =	ssyncadd.s32 $0xFFFFFF80  }
0x85: {  	[tilespmem:s19], [sflag:$0x5] =	stream.linear.gather [hbm4b:s29+s5], $0x80, $0x38;
	[tilespmem:$0x1C200] =	vst v63  }
0x86: {  	_ =	swait.ge [sflag:s16], $0x80  }
0x87: {  	[sflag:s16] =	ssyncset.done $0x0  }
0x88: {  	[sflag:s16] =	ssyncadd.s32 $0xFFFFFF80  }
0x89: {  	_ =	swait.ge [sflag:s20], $0x80  }
0x8a: {  	[sflag:s20] =	ssyncset.done $0x0  }
0x8b: {  	[sflag:s20] =	ssyncadd.s32 $0xFFFFFF80  }
0x8c: {  	[tilespmem:s15], [sflag:$0x1] =	stream.indirect.gather [hbm4b:s6+s17], $0x80, s5, s17, $0xb8;
	[tilespmem:$0x1C200] =	vst v63  }
0x8d: {  	_ =	swait.ge [sflag:s21], $0x80  }
0x8e: {  	[sflag:s21] =	ssyncset.done $0x0  }
0x8f: {  	[sflag:s21] =	ssyncadd.s32 $0xFFFFFF80  }
0x90: {  	[tilespmem:s22], [sflag:$0x2] =	stream.indirect.gather [hbm4b:s6+s17], $0x80, s17, s17, $0xb8;
	[tilespmem:$0x1C200] =	vst v63  }
0x91: {  	_ =	swait.ge [sflag:s23], $0x4000  }
0x92: {  	[sflag:s23] =	ssyncset.done $0x0  }
0x93: {  	[sflag:s23] =	ssyncadd.s32 $0xFFFFC000  }
0x94: {  	[spmem:s4] =	stream.indirect.scatter.add.f32 [tilespmem:s15], [sflag:$0x5], $0x80, s18, s17, $0xb8;
	[tilespmem:$0x1C200] =	vst v63  }
0x95: {  	_ =	swait.ge [sflag:s16], $0x4000  }
0x96: {  	[sflag:s16] =	ssyncset.done $0x0  }
0x97: {  	[sflag:s16] =	ssyncadd.s32 $0xFFFFC000  }
0x98: {  	_ =	swait.ge [sflag:s24], $0x4000  }
0x99: {  	[sflag:s24] =	ssyncset.done $0x0  }
0x9a: {  	[sflag:s24] =	ssyncadd.s32 $0xFFFFC000  }
0x9b: {  	[spmem:s4] =	stream.indirect.scatter.add.f32 [tilespmem:s22], [sflag:$0x5], $0x80, s19, s17, $0xb8;
	[tilespmem:$0x1C200] =	vst v63  }
0x9c: {  	_ =	swait.ge [sflag:s16], $0x4000  }
0x9d: {  	s25 =	sadd.s32 $0x1, s25;
	s30 =	sshll.u32 s0, $0x6;
	[sflag:s16] =	ssyncset.done $0x0  }
0x9e: {  	p0 =	sne.s32 s25, s14;
	s26 =	sor.u32 $0x1C05, s30;
	[sflag:s16] =	ssyncadd.s32 $0xFFFFC000  }
.Ltmp2:
0x9f: {  	s31 =	sshrl.u32 s7, $0x3;
	[bflag:$0x0] =	sbarrier.arrive $0xFFFF;
	(pc) =	sbr.rel @p0 .LBB2_1-.Ltmp2, $4  }
0xa0: {  	[hbm:s13], [sflag:s26] =	dma.local [spmem:s31], $0x2800  }
0xa1: {  	_ =	swait.ge [sflag:s16], $0x2800  }
0xa2: {  	[sflag:s16] =	ssyncset.done $0x0  }
0xa3: {  	[sflag:s16] =	ssyncadd.s32 $0xFFFFD800  }
0xa4: {  	_ =	sfence.sel $0x180000  }
0xa5: {  	[bflag:$0x0] =	sbarrier.arrive $0xFFFF  }
0xa6: {  	p0 =	sne.s32 s0, $0x0;
	_ =	strace $0x9000004A  }
0xa7: {  	s0 =	sadd.s32 @!p0 $0x100000, s2;
	[bflag:$0x2] =	sbarrier.arrive $0xFFFF  }
0xa8: {  	[sflag:s0] =	ssyncadd.tile.s32 @!p0 $0x1;
	_ =	shalt  }
.Lfunc_end2:
_tile_overlayer_lowered:
.L_overlay_start_2:
0xa9: {  	(tag) =	ssettag $0x2  }
0xaa: {  	s0 =	rddreg [dreg:$0x0];
	s2 =	stileid.u32  }
0xab: {  	s1 =	rddreg [dreg:$0x1];
	p0 =	sne.s32 s2, $0x0  }
0xac: {  	s3 =	rddreg [dreg:$0x2];
	[bflag:$0x3] =	sbarrier.arrive $0xFFFF;
	s2 =	simm.s32 @!p0 $0x1C05  }
0xad: {  	[timem:s3], [sflag:s2] =	dma.local @!p0 [hbm:s0], s1  }
0xae: {  	s0 =	simm.s32 @!p0 $0x5  }
0xaf: {  	_ =	swait.ge @!p0 [sflag:s0], s1  }
0xb0: {  	s1 =	ssub.s32 @!p0 $0x0, s1;
	[sflag:s0] =	ssyncset.done @!p0 $0x0  }
0xb1: {  	[sflag:s0] =	ssyncadd.s32 @!p0 s1  }
0xb2: {  	[bflag:$0x3] =	sbarrier.arrive $0xFFFF  }
0xb3: {  	_ =	shalt  }

// kernel: kernel.14.cloned.1.call-start
scs
__scs_entry_jumppad:
0x0: {  	(pc) =	sbr.rel $0x88, $3  }
0x1: {  	(tag) =	ssettag $0x0;
	lr =	simm.s32 $0x1  }
0x2: {  	[smem:$0x3F99] =	sst lr;
	_ =	strace $0xD0000000  }
0x3: {  	_ = 	snop  }
0x4: {  	_ = 	snop  }
0x5: {  	_ = 	snop  }
0x6: {  	_ = 	snop  }
0x7: {  	_ = 	snop  }
__scs_overlays_trampoline_lowered:
0x8: {  	[smem:$0x3FA8] =	sst s0  }
0x9: {  	[smem:$0x3FA9] =	sst s1  }
0xa: {  	[smem:$0x3FAA] =	sst s2  }
0xb: {  	[smem:$0x3FAB] =	sst s3  }
0xc: {  	[smem:$0x3FAC] =	sst s4  }
0xd: {  	[smem:$0x3FAD] =	sst s5  }
0xe: {  	[smem:$0x3FAE] =	sst s6  }
0xf: {  	[smem:$0x3FAF] =	sst s7  }
0x10: {  	[smem:$0x3FB0] =	sst s8  }
0x11: {  	[smem:$0x3FB1] =	sst s9;
	s0 =	simm.s32 @!p0 $0x0  }
0x12: {  	s1 =	sld [smem:$0x3F97];
	s0 =	simm.s32 @p0 $0x1  }
0x13: {  	[smem:$0x3FB2] =	sst s0;
	s0 =	simm.s32 @!p1 $0x0  }
0x14: {  	s2 =	sld [smem:$0x3F96];
	s0 =	simm.s32 @p1 $0x1  }
0x15: {  	[smem:$0x3FB3] =	sst s0;
	s0 =	simm.s32 @!p2 $0x0  }
0x16: {  	s3 =	sld [smem:$0x3FDB];
	s0 =	simm.s32 @p2 $0x1  }
0x17: {  	s4 =	simm.s32 $0x1BF5;
	[smem:$0x3FB5] =	sst s0  }
0x18: {  	s0 =	sld [smem:$0x3F98];
	_ =	swait.ge [sflag:s4], $0x0  }
0x19: {  	s7 =	sld [smem:$0x3F99]  }
0x1a: {  	s8 =	sadd.s32 $0xFFFFE003, lr  }
0x1b: {  	s9 =	sadd.s32 $0xFFFFFEF7, lr;
	s5 =	simm.s32 $0xFFFFFFFF;
	p2 =	slt.u32 s8, $0xFFFFF086  }
0x1c: {  	p1 =	slt.u32 s9, $0xF7A;
	s5 =	simm.s32 @!p2 $0x0  }
0x1d: {  	s5 =	simm.s32 @p1 $0x1;
	p0 =	seq.s32 s7, s2  }
0x1e: {  	s7 =	smul.u32 @!p0 $0xF7A, s2;
	p2 =	seq.s32 @!p0 s5, $0x0  }
0x1f: {  	s9 =	smul.u32 $0xF7A, s1;
	s8 =	simm.s32 @!p0 $0x1BF5;
	p2 =	por !p2, p0  }
0x20: {  	[sflag:s8] =	ssyncset.s32 @!p0 $0xFFFFF086;
	s6 =	sadd.s32 @!p0 s3, s7;
	s7 =	simm.s32 @!p0 $0x108  }
0x21: {  	s3 =	sadd.s32 s3, s9;
	s6 =	sadd.s32 @!p0 $0x88, s6;
	s7 =	simm.s32 @p2 $0x1082  }
0x22: {  	[simem:s7], [sflag:s8] =	dma.local @!p0 [hbm:s6], $0xF7A  }
0x23: {  	s9 =	sor.u32 $0xD0000000, s2;
	s6 =	simm.s32 $0x108;
	_ =	swait.ge @!p0 [sflag:s8], $0x0  }
0x24: {  	s3 =	sadd.s32 $0x88, s3;
	s6 =	simm.s32 @!p1 $0x1082;
	[sflag:s4] =	ssyncset.s32 $0xFFFFF086  }
0x25: {  	[simem:s6], [sflag:s4] =	dma.local [hbm:s3], $0xF7A  }
0x26: {  	[smem:$0x3F99] =	sst s1;
	(tag) =	ssettag s2;
	_ =	strace s9  }
0x27: {  	s1 =	sld [smem:$0x3FA9]  }
0x28: {  	s2 =	sld [smem:$0x3FAA]  }
0x29: {  	s4 =	sld [smem:$0x3FAC]  }
0x2a: {  	p0 =	seq.s32 s5, $0x0;
	s5 =	sld [smem:$0x3FAD]  }
0x2b: {  	s6 =	sld [smem:$0x3FAE]  }
0x2c: {  	s7 =	sld [smem:$0x3FAF]  }
0x2d: {  	s3 =	simm.s32 $0x108;
	s8 =	sld [smem:$0x3FB0]  }
0x2e: {  	s3 =	simm.s32 @!p0 $0x1082;
	s9 =	sld [smem:$0x3FB1]  }
0x2f: {  	lr =	sadd.s32 s0, s3;
	s0 =	sld [smem:$0x3FA8]  }
0x30: {  	s3 =	sld [smem:$0x3FAB]  }
0x31: {  	[smem:$0x3FB4] =	sst s10  }
0x32: {  	s10 =	sld [smem:$0x3FB2];
	_ =	sdelay $0x3  }
0x33: {  	p0 =	seq.s32 s10, $0x1;
	s10 =	sld [smem:$0x3FB4];
	_ =	sdelay $0x3  }
0x34: {  	[smem:$0x3FB4] =	sst s10  }
0x35: {  	s10 =	sld [smem:$0x3FB3];
	_ =	sdelay $0x3  }
0x36: {  	p1 =	seq.s32 s10, $0x1;
	s10 =	sld [smem:$0x3FB4];
	_ =	sdelay $0x3  }
0x37: {  	[smem:$0x3FB4] =	sst s10  }
0x38: {  	s10 =	sld [smem:$0x3FB5]  }
0x39: {  	_ = 	snop;
	(pc) =	sbr.ind lr, $3  }
0x3a: {  	_ = 	snop  }
0x3b: {  	_ = 	snop  }
0x3c: {  	p2 =	seq.s32 s10, $0x1;
	s10 =	sld [smem:$0x3FB4]  }
0x3d: {  	_ =	shalt  }
0x3e: {  	_ =	shalt  }
0x3f: {  	_ =	shalt  }
0x40: {  	_ =	shalt  }
0x41: {  	_ =	shalt  }
0x42: {  	_ =	shalt  }
0x43: {  	_ =	shalt  }
0x44: {  	_ =	shalt  }
0x45: {  	_ =	shalt  }
0x46: {  	_ =	shalt  }
0x47: {  	_ =	shalt  }
0x48: {  	_ =	shalt  }
0x49: {  	_ =	shalt  }
0x4a: {  	_ =	shalt  }
0x4b: {  	_ =	shalt  }
0x4c: {  	_ =	shalt  }
0x4d: {  	_ =	shalt  }
0x4e: {  	_ =	shalt  }
0x4f: {  	_ =	shalt  }
0x50: {  	_ =	shalt  }
0x51: {  	_ =	shalt  }
0x52: {  	_ =	shalt  }
0x53: {  	_ =	shalt  }
0x54: {  	_ =	shalt  }
0x55: {  	_ =	shalt  }
0x56: {  	_ =	shalt  }
0x57: {  	_ =	shalt  }
0x58: {  	_ =	shalt  }
0x59: {  	_ =	shalt  }
0x5a: {  	_ =	shalt  }
0x5b: {  	_ =	shalt  }
0x5c: {  	_ =	shalt  }
0x5d: {  	_ =	shalt  }
0x5e: {  	_ =	shalt  }
0x5f: {  	_ =	shalt  }
0x60: {  	_ =	shalt  }
0x61: {  	_ =	shalt  }
0x62: {  	_ =	shalt  }
0x63: {  	_ =	shalt  }
0x64: {  	_ =	shalt  }
0x65: {  	_ =	shalt  }
0x66: {  	_ =	shalt  }
0x67: {  	_ =	shalt  }
0x68: {  	_ =	shalt  }
0x69: {  	_ =	shalt  }
0x6a: {  	_ =	shalt  }
0x6b: {  	_ =	shalt  }
0x6c: {  	_ =	shalt  }
0x6d: {  	_ =	shalt  }
0x6e: {  	_ =	shalt  }
0x6f: {  	_ =	shalt  }
0x70: {  	_ =	shalt  }
0x71: {  	_ =	shalt  }
0x72: {  	_ =	shalt  }
0x73: {  	_ =	shalt  }
0x74: {  	_ =	shalt  }
0x75: {  	_ =	shalt  }
0x76: {  	_ =	shalt  }
0x77: {  	_ =	shalt  }
0x78: {  	_ =	shalt  }
0x79: {  	_ =	shalt  }
0x7a: {  	_ =	shalt  }
0x7b: {  	_ =	shalt  }
0x7c: {  	_ =	shalt  }
0x7d: {  	_ =	shalt  }
0x7e: {  	_ =	shalt  }
0x7f: {  	_ =	shalt  }
0x80: {  	_ =	shalt  }
0x81: {  	_ =	shalt  }
0x82: {  	_ =	shalt  }
0x83: {  	_ =	shalt  }
0x84: {  	_ =	shalt  }
0x85: {  	_ =	shalt  }
0x86: {  	_ =	shalt  }
0x87: {  	_ =	shalt  }
.Lfunc_end0:
.L_simem_size_0:
called_computation.2_lowered:
.L_overlay_start_0:
0x88: {  	s2 =	sld [smem:$0x3FD9]  }
0x89: {  	s3 =	sld [smem:$0x3FFE];
	_ =	sdelay $0x1  }
0x8a: {  	s1 =	srdreg.scid  }
0x8b: {  	s0 =	sand.u32 $0x1, s1  }
0x8c: {  	s14 =	sshll.u32 s0, $0xA;
	s2 =	sadd.s32 s3, s2  }
0x8d: {  	s2 =	sadd.s32 s2, s14  }
0x8e: {  	[smem:$0x3FC0] =	sst s2  }
0x8f: {  	_ = 	snop  }
0x90: {  	s2 =	sld [smem:$0x3FD0];
	_ =	sdelay $0x2  }
0x91: {  	s15 =	simm.s32 $0xA;
	s4 =	simm.s32 $0x10  }
0x92: {  	[smem:s4], [sflag:s15] =	dma.local [hbm:s2], $0x1  }
0x93: {  	_ =	swait.eq [sflag:s15], $0x1  }
0x94: {  	[sflag:s15] =	ssyncset.done $0x0  }
0x95: {  	s16 =	sld [smem:$0x10];
	[sflag:s15] =	ssyncadd.s32 $0xFFFFFFFF  }
0x96: {  	s17 =	sld [smem:$0x11];
	(tm) =	ssettm $0x1  }
0x97: {  	s18 =	sld [smem:$0x3FFB];
	_ =	sdelay $0x3  }
0x98: {  	_ =	strace s18  }
0x99: {  	s4 =	sld [smem:$0x3FFC];
	_ =	sdelay $0x3  }
0x9a: {  	_ =	strace s4  }
0x9b: {  	s4 =	sld [smem:$0x3FFD];
	_ =	sdelay $0x3  }
0x9c: {  	_ =	strace s4  }
0x9d: {  	_ =	strace $0x8FFFFFFF  }
0x9e: {  	s19 =	sld [smem:$0x3FDB];
	_ =	sdelay $0x1  }
0x9f: {  	s5 =	simm.s32 $_scs_section_size  }
0xa0: {  	s6 =	simm.s32 $_size__tile_overlayer_lowered;
	s7 =	simm.s32 $_tile_overlayer_lowered  }
0xa1: {  	s22 =	simm.s32 $0x1BFF;
	s21 =	sshll.u32 s7, $0x1;
	s4 =	sadd.s32 s5, s19  }
0xa2: {  	s8 =	simm.s32 $0x0;
	s20 =	sshll.u32 s6, $0x1;
	s6 =	sadd.s32 s21, s4  }
0xa3: {  	[timem:s8], [sflag:s22] =	dma.local [hbm:s6], s20  }
0xa4: {  	_ =	swait.ge [sflag:s22], s20  }
0xa5: {  	s5 =	ssub.s32 $0x0, s20;
	[sflag:s22] =	ssyncset.done $0x0  }
0xa6: {  	[sflag:s22] =	ssyncadd.s32 s5;
	_ =	sdelay $0x1  }
0xa7: {  	s23 =	simm.s32 $0x1B8B  }
0xa8: {  	_ =	swait.ge [sflag:s23], $0x1  }
0xa9: {  	[sflag:s23] =	ssyncset.done $0x0  }
0xaa: {  	s25 =	simm.s32 $0x1B8E;
	s24 =	sld [smem:$0x3FFE];
	[sflag:s23] =	ssyncadd.s32 $0xFFFFFFFF  }
0xab: {  	s26 =	simm.s32 $execute0_lowered;
	[smem:$0x3FD2] =	sst s25  }
0xac: {  	s6 =	sshll.u32 s26, $0x1;
	_ =	strace $0x8000004C;
	[dreg:$0x1] =	wrdreg $0xFFFFFFFF  }
0xad: {  	s28 =	simm.s32 $_size_execute0_lowered;
	s4 =	sadd.s32 s4, s6;
	[dreg:$0x0] =	wrdreg $0x0  }
0xae: {  	s6 =	sshll.u32 s28, $0x1;
	[dreg:$0x2] =	wrdreg s4  }
0xaf: {  	[dreg:$0x3] =	wrdreg s6  }
0xb0: {  	[dreg:$0x4] =	wrdreg $0xC0  }
0xb1: {  	_ =	task [dreg:s8], $0x5FFFF  }
0xb2: {  	[dreg:$0x1] =	wrdreg $0xFFFFFFFF  }
0xb3: {  	[dreg:$0x0] =	wrdreg $0x60  }
0xb4: {  	[dreg:$0x2] =	wrdreg s24  }
0xb5: {  	[dreg:$0x3] =	wrdreg s16  }
0xb6: {  	[dreg:$0x4] =	wrdreg s17  }
0xb7: {  	[dreg:$0x5] =	wrdreg $0x82000  }
0xb8: {  	[dreg:$0x6] =	wrdreg $0x9  }
0xb9: {  	_ =	task.clear_ibuf [dreg:s8], $0x7FFFF;
	_ =	strace $0x9000004C  }
0xba: {  	s29 =	simm.s32 $0x9;
	_ =	strace $0x8000004E  }
0xbb: {  	_ =	swait.ge [sflag:s29], $0x1  }
0xbc: {  	[sflag:s29] =	ssyncadd.s32 $0xFFFFFFFF  }
0xbd: {  	_ =	strace $0x9000004E  }
0xbe: {  	_ =	sfence  }
0xbf: {  	s30 =	sld [smem:$0x0];
	_ =	sdelay $0x2  }
0xc0: {  	s31 =	sshll.u32 s1, $0xD;
	s1 =	sshrl.u32 s1, $0x2  }
0xc1: {  	s3 =	sand.u32 $0x4000, s31;
	s1 =	sadd.s32 s1, s30  }
0xc2: {  	s0 =	sor.u32 s3, s0;
	s1 =	sshll.u32 s1, $0x11  }
0xc3: {  	s0 =	sor.u32 s1, s0  }
0xc4: {  	s0 =	sadd.s32 $0x8F2B, s0  }
0xc5: {  	[sflag:s0] =	ssyncadd.remote.s32 $0x1  }
0xc6: {  	_ =	sfence.sel $0xFFFF  }
0xc7: {  	[dreg:$0x0] =	wrdreg $0xFFFFFFFF;
	(pc) =	sbr.abs _section_cstart, $3  }
0xc8: {  	[dreg:$0x1] =	wrdreg $0xFFFFFFFF  }
0xc9: {  	_ =	task.clear_ibuf [dreg:s8], $0x2FFFF;
	_ =	strace $0x9FFFFFFF  }
0xca: {  	(tm) =	ssettm $0x7FFFFFFF  }
0xcb: {  	_ =	shalt  }
tec
execute0_lowered:
.L_overlay_start_1:
0x0: {  	(tag) =	ssettag $0x1  }
0x1: {  	s7 =	rddreg [dreg:$0x0]  }
0x2: {  	s1 =	rddreg [dreg:$0x1]  }
0x3: {  	s3 =	rddreg [dreg:$0x2]  }
0x4: {  	s4 =	rddreg [dreg:$0x3]  }
0x5: {  	s0 =	srdreg.scid;
	s2 =	rddreg [dreg:$0x4];
	s5 =	simm.s32 $0x0  }
0x6: {  	s15 =	simm.s32 $0x200;
	s16 =	simm.s32 $0x5;
	s17 =	simm.s32 $0x80  }
0x7: {  	s18 =	simm.s32 $0x100;
	s19 =	simm.s32 $0x180;
	s20 =	simm.s32 $0x3  }
0x8: {  	s21 =	simm.s32 $0x4;
	s22 =	simm.s32 $0x4200;
	s8 =	sand.u32 $0x1, s0  }
0x9: {  	s23 =	simm.s32 $0x1;
	s0 =	stileid.u32;
	s6 =	smul.u32 $0x140000, s8  }
0xa: {  	s24 =	simm.s32 $0x2;
	s25 =	simm.s32 $0x0;
	s9 =	smul.u32 $0x14000, s0  }
0xb: {  	[smem:$0x7FF] =	sst s5;
	s10 =	smul.u32 $0x50000, s0;
	s30 =	ssub.s32 $0x2, s8  }
0xc: {  	_ =	strace $0x8000004D;
	s8 =	sshll.u32 s8, $0x4;
	s31 =	sshrl.u32 s30, $0x1  }
0xd: {  	s12 =	sor.u32 s0, s8;
	s6 =	sadd.s32 s9, s6;
	s10 =	sshrl.u32 s10, $0x2  }
0xe: {  	s14 =	ssub.s32 s30, s31;
	s12 =	smul.u32 $0x2800, s12;
	s9 =	sshrl.u32 s6, $0x3  }
0xf: {  	s6 =	sadd.s32 $0x52800, s7;
	s13 =	sadd.s32 s9, s7;
	s7 =	sadd.s32 s10, s4  }
0x10: {  	s14 =	smax.u32 s14, $0x1;
	s8 =	sadd.s32 $0x4000, s7;
	s9 =	sadd.s32 $0x8000, s7  }
0x11: {  	v0 =	vimm.f32 $0.0e+00;
	s10 =	sadd.s32 $0xC000, s7;
	s11 =	sadd.s32 $0x10000, s7;
	s13 =	sadd.s32 $0x7A800, s13  }
.LBB2_1:
0x12: {  	s26 =	simm.s32 $0x0;
	s28 =	simm.s32 $0x200  }
.LBB2_2:
0x13: {  	p0 =	sne.s32 s28, $0xFE00;
	[tilespmem:s26+$0x270] =	vst v0  }
0x14: {  	[tilespmem:s26+$0x200] =	vst v0  }
0x15: {  	[tilespmem:s26+$0x210] =	vst v0  }
.Ltmp0:
0x16: {  	[tilespmem:s26+$0x220] =	vst v0;
	(pc) =	sbr.rel @p0 .LBB2_2-.Ltmp0, $4  }
0x17: {  	[tilespmem:s26+$0x230] =	vst v0  }
0x18: {  	[tilespmem:s26+$0x240] =	vst v0  }
0x19: {  	[tilespmem:s26+$0x250] =	vst v0  }
0x1a: {  	[tilespmem:s26+$0x260] =	vst v0;
	s26 =	sshra.s32 s28, $0x2;
	s28 =	sadd.s32 $0x200, s28  }
0x1b: {  	[tilespmem:s26+$0x270] =	vst v0  }
0x1c: {  	[tilespmem:s26+$0x200] =	vst v0  }
0x1d: {  	[tilespmem:s26+$0x210] =	vst v0  }
0x1e: {  	[tilespmem:s26+$0x220] =	vst v0  }
0x1f: {  	[tilespmem:s26+$0x230] =	vst v0  }
0x20: {  	[tilespmem:s26+$0x240] =	vst v0  }
0x21: {  	[tilespmem:s26+$0x250] =	vst v0  }
0x22: {  	[tilespmem:s26+$0x260] =	vst v0  }
0x23: {  	[spmem:s7] =	stream.linear.scatter [tilespmem:s15], [sflag:$0x5], $0x4000, $0x38;
	[tilespmem:$0x1C200] =	vst v63  }
0x24: {  	_ =	swait.ge [sflag:s16], $0x4000  }
0x25: {  	[sflag:s16] =	ssyncset.done $0x0  }
0x26: {  	[sflag:s16] =	ssyncadd.s32 $0xFFFFC000  }
0x27: {  	[spmem:s8] =	stream.linear.scatter [tilespmem:s15], [sflag:$0x5], $0x4000, $0x38;
	[tilespmem:$0x1C200] =	vst v63  }
0x28: {  	_ =	swait.ge [sflag:s16], $0x4000  }
0x29: {  	[sflag:s16] =	ssyncset.done $0x0  }
0x2a: {  	[sflag:s16] =	ssyncadd.s32 $0xFFFFC000  }
0x2b: {  	[spmem:s9] =	stream.linear.scatter [tilespmem:s15], [sflag:$0x5], $0x4000, $0x38;
	[tilespmem:$0x1C200] =	vst v63  }
0x2c: {  	_ =	swait.ge [sflag:s16], $0x4000  }
0x2d: {  	[sflag:s16] =	ssyncset.done $0x0  }
0x2e: {  	[sflag:s16] =	ssyncadd.s32 $0xFFFFC000  }
0x2f: {  	[spmem:s10] =	stream.linear.scatter [tilespmem:s15], [sflag:$0x5], $0x4000, $0x38;
	[tilespmem:$0x1C200] =	vst v63  }
0x30: {  	_ =	swait.ge [sflag:s16], $0x4000  }
0x31: {  	s31 =	simm.s32 $0x0;
	[sflag:s16] =	ssyncset.done $0x0  }
0x32: {  	s28 =	sand.u32 $0x3C00, s31;
	[sflag:s16] =	ssyncadd.s32 $0xFFFFC000  }
0x33: {  	[spmem:s11] =	stream.linear.scatter [tilespmem:s15], [sflag:$0x5], $0x4000, $0x38;
	[tilespmem:$0x1C200] =	vst v63  }
0x34: {  	s26 =	sand.u32 $0x300, s31;
	s28 =	sadd.s32 s12, s28;
	_ =	swait.ge [sflag:s16], $0x4000  }
0x35: {  	s26 =	sor.u32 s26, s28;
	[sflag:s16] =	ssyncset.done $0x0  }
0x36: {  	s26 =	sshrl.u32 s26, $0x3;
	[sflag:s16] =	ssyncadd.s32 $0xFFFFC000  }
0x37: {  	s30 =	sadd.s32 s1, s26;
	s29 =	sor.u32 $0x10, s26;
	[bflag:$0x0] =	sbarrier.arrive $0xFFFF  }
0x38: {  	[tilespmem:s5], [sflag:$0x3] =	stream.linear.gather [hbm4b:s30+s5], $0x80, $0x38;
	[tilespmem:$0x1C200] =	vst v63  }
0x39: {  	s31 =	sadd.s32 s1, s29  }
0x3a: {  	[tilespmem:s17], [sflag:$0x4] =	stream.linear.gather [hbm4b:s31+s5], $0x80, $0x38;
	[tilespmem:$0x1C200] =	vst v63  }
0x3b: {  	s26 =	sadd.s32 s3, s26  }
0x3c: {  	[tilespmem:s18], [sflag:$0x5] =	stream.linear.gather [hbm4b:s26+s5], $0x80, $0x38;
	[tilespmem:$0x1C200] =	vst v63  }
0x3d: {  	_ =	swait.ge [sflag:s16], $0x80  }
0x3e: {  	[sflag:s16] =	ssyncset.done $0x0  }
0x3f: {  	s28 =	sadd.s32 s3, s29;
	[sflag:s16] =	ssyncadd.s32 $0xFFFFFF80  }
0x40: {  	[tilespmem:s19], [sflag:$0x5] =	stream.linear.gather [hbm4b:s28+s5], $0x80, $0x38;
	[tilespmem:$0x1C200] =	vst v63  }
0x41: {  	_ =	swait.ge [sflag:s16], $0x80  }
0x42: {  	[sflag:s16] =	ssyncset.done $0x0  }
0x43: {  	[sflag:s16] =	ssyncadd.s32 $0xFFFFFF80  }
0x44: {  	_ =	swait.ge [sflag:s20], $0x80  }
0x45: {  	[sflag:s20] =	ssyncset.done $0x0  }
0x46: {  	[sflag:s20] =	ssyncadd.s32 $0xFFFFFF80  }
0x47: {  	[tilespmem:s15], [sflag:$0x1] =	stream.indirect.gather [hbm4b:s6+s17], $0x80, s5, s17, $0xb8;
	[tilespmem:$0x1C200] =	vst v63  }
0x48: {  	_ =	swait.ge [sflag:s21], $0x80  }
0x49: {  	[sflag:s21] =	ssyncset.done $0x0  }
0x4a: {  	[sflag:s21] =	ssyncadd.s32 $0xFFFFFF80  }
0x4b: {  	[tilespmem:s22], [sflag:$0x2] =	stream.indirect.gather [hbm4b:s6+s17], $0x80, s17, s17, $0xb8;
	[tilespmem:$0x1C200] =	vst v63  }
0x4c: {  	_ =	swait.ge [sflag:s23], $0x4000  }
0x4d: {  	[sflag:s23] =	ssyncset.done $0x0  }
0x4e: {  	[sflag:s23] =	ssyncadd.s32 $0xFFFFC000  }
0x4f: {  	[spmem:s4] =	stream.indirect.scatter.add.f32 [tilespmem:s15], [sflag:$0x5], $0x80, s18, s17, $0xb8;
	[tilespmem:$0x1C200] =	vst v63  }
0x50: {  	_ =	swait.ge [sflag:s16], $0x4000  }
0x51: {  	s30 =	simm.s32 $0x100;
	[sflag:s16] =	ssyncset.done $0x0  }
0x52: {  	s31 =	sand.u32 $0x3C00, s30;
	[sflag:s16] =	ssyncadd.s32 $0xFFFFC000  }
0x53: {  	s26 =	sand.u32 $0x300, s30;
	s28 =	sadd.s32 s12, s31;
	_ =	swait.ge [sflag:s24], $0x4000  }
0x54: {  	s28 =	sor.u32 s26, s28;
	[sflag:s24] =	ssyncset.done $0x0  }
0x55: {  	s26 =	simm.s32 $0x200;
	s29 =	sshrl.u32 s28, $0x3;
	[sflag:s24] =	ssyncadd.s32 $0xFFFFC000  }
.LBB2_4:
0x56: {  	[spmem:s4] =	stream.indirect.scatter.add.f32 [tilespmem:s22], [sflag:$0x5], $0x80, s19, s17, $0xb8;
	[tilespmem:$0x1C200] =	vst v63  }
0x57: {  	s28 =	smov.u32 s26  }
0x58: {  	p0 =	sne.s32 s26, $0x2700;
	s26 =	sadd.s32 $0x100, s26;
	_ =	swait.ge [sflag:s16], $0x4000  }
0x59: {  	[sflag:s16] =	ssyncset.done $0x0  }
0x5a: {  	s30 =	sadd.s32 s1, s29;
	s31 =	sor.u32 $0x10, s29;
	[sflag:s16] =	ssyncadd.s32 $0xFFFFC000  }
0x5b: {  	[tilespmem:s5], [sflag:$0x3] =	stream.linear.gather [hbm4b:s30+s5], $0x80, $0x38;
	[tilespmem:$0x1C200] =	vst v63  }
0x5c: {  	s30 =	sadd.s32 s1, s31  }
0x5d: {  	[tilespmem:s17], [sflag:$0x4] =	stream.linear.gather [hbm4b:s30+s5], $0x80, $0x38;
	[tilespmem:$0x1C200] =	vst v63  }
0x5e: {  	s29 =	sadd.s32 s3, s29  }
0x5f: {  	[tilespmem:s18], [sflag:$0x5] =	stream.linear.gather [hbm4b:s29+s5], $0x80, $0x38;
	[tilespmem:$0x1C200] =	vst v63  }
0x60: {  	_ =	swait.ge [sflag:s16], $0x80  }
0x61: {  	[sflag:s16] =	ssyncset.done $0x0  }
0x62: {  	s29 =	sadd.s32 s3, s31;
	[sflag:s16] =	ssyncadd.s32 $0xFFFFFF80  }
0x63: {  	[tilespmem:s19], [sflag:$0x5] =	stream.linear.gather [hbm4b:s29+s5], $0x80, $0x38;
	[tilespmem:$0x1C200] =	vst v63  }
0x64: {  	_ =	swait.ge [sflag:s16], $0x80  }
0x65: {  	[sflag:s16] =	ssyncset.done $0x0  }
0x66: {  	[sflag:s16] =	ssyncadd.s32 $0xFFFFFF80  }
0x67: {  	_ =	swait.ge [sflag:s20], $0x80  }
0x68: {  	[sflag:s20] =	ssyncset.done $0x0  }
0x69: {  	[sflag:s20] =	ssyncadd.s32 $0xFFFFFF80  }
0x6a: {  	[tilespmem:s15], [sflag:$0x1] =	stream.indirect.gather [hbm4b:s6+s17], $0x80, s5, s17, $0xb8;
	[tilespmem:$0x1C200] =	vst v63  }
0x6b: {  	_ =	swait.ge [sflag:s21], $0x80  }
0x6c: {  	[sflag:s21] =	ssyncset.done $0x0  }
0x6d: {  	[sflag:s21] =	ssyncadd.s32 $0xFFFFFF80  }
0x6e: {  	[tilespmem:s22], [sflag:$0x2] =	stream.indirect.gather [hbm4b:s6+s17], $0x80, s17, s17, $0xb8;
	[tilespmem:$0x1C200] =	vst v63  }
0x6f: {  	_ =	swait.ge [sflag:s23], $0x4000  }
0x70: {  	[sflag:s23] =	ssyncset.done $0x0  }
0x71: {  	[sflag:s23] =	ssyncadd.s32 $0xFFFFC000  }
0x72: {  	[spmem:s4] =	stream.indirect.scatter.add.f32 [tilespmem:s15], [sflag:$0x5], $0x80, s18, s17, $0xb8;
	[tilespmem:$0x1C200] =	vst v63  }
0x73: {  	_ =	swait.ge [sflag:s16], $0x4000  }
.Ltmp1:
0x74: {  	[sflag:s16] =	ssyncset.done $0x0;
	(pc) =	sbr.rel @p0 .LBB2_4-.Ltmp1, $4  }
0x75: {  	s29 =	sand.u32 $0x3C00, s28;
	[sflag:s16] =	ssyncadd.s32 $0xFFFFC000  }
0x76: {  	s28 =	sand.u32 $0x300, s28;
	s29 =	sadd.s32 s12, s29;
	_ =	swait.ge [sflag:s24], $0x4000  }
0x77: {  	s28 =	sor.u32 s28, s29;
	[sflag:s24] =	ssyncset.done $0x0  }
0x78: {  	s29 =	sshrl.u32 s28, $0x3;
	[sflag:s24] =	ssyncadd.s32 $0xFFFFC000  }
0x79: {  	[spmem:s4] =	stream.indirect.scatter.add.f32 [tilespmem:s22], [sflag:$0x5], $0x80, s19, s17, $0xb8;
	[tilespmem:$0x1C200] =	vst v63  }
0x7a: {  	_ =	swait.ge [sflag:s16], $0x4000  }
0x7b: {  	[sflag:s16] =	ssyncset.done $0x0  }
0x7c: {  	s26 =	sadd.s32 s1, s29;
	s28 =	sor.u32 $0x10, s29;
	[sflag:s16] =	ssyncadd.s32 $0xFFFFC000  }
0x7d: {  	[tilespmem:s5], [sflag:$0x3] =	stream.linear.gather [hbm4b:s26+s5], $0x80, $0x38;
	[tilespmem:$0x1C200] =	vst v63  }
0x7e: {  	s30 =	sadd.s32 s1, s28  }
0x7f: {  	[tilespmem:s17], [sflag:$0x4] =	stream.linear.gather [hbm4b:s30+s5], $0x80, $0x38;
	[tilespmem:$0x1C200] =	vst v63  }
0x80: {  	s31 =	sadd.s32 s3, s29  }
0x81: {  	[tilespmem:s18], [sflag:$0x5] =	stream.linear.gather [hbm4b:s31+s5], $0x80, $0x38;
	[tilespmem:$0x1C200] =	vst v63  }
0x82: {  	_ =	swait.ge [sflag:s16], $0x80  }
0x83: {  	[sflag:s16] =	ssyncset.done $0x0  }
0x84: {  	s29 =	sadd.s32 s3, s28;
	[sflag:s16] =	ssyncadd.s32 $0xFFFFFF80  }
0x85: {  	[tilespmem:s19], [sflag:$0x5] =	stream.linear.gather [hbm4b:s29+s5], $0x80, $0x38;
	[tilespmem:$0x1C200] =	vst v63  }
0x86: {  	_ =	swait.ge [sflag:s16], $0x80  }
0x87: {  	[sflag:s16] =	ssyncset.done $0x0  }
0x88: {  	[sflag:s16] =	ssyncadd.s32 $0xFFFFFF80  }
0x89: {  	_ =	swait.ge [sflag:s20], $0x80  }
0x8a: {  	[sflag:s20] =	ssyncset.done $0x0  }
0x8b: {  	[sflag:s20] =	ssyncadd.s32 $0xFFFFFF80  }
0x8c: {  	[tilespmem:s15], [sflag:$0x1] =	stream.indirect.gather [hbm4b:s6+s17], $0x80, s5, s17, $0xb8;
	[tilespmem:$0x1C200] =	vst v63  }
0x8d: {  	_ =	swait.ge [sflag:s21], $0x80  }
0x8e: {  	[sflag:s21] =	ssyncset.done $0x0  }
0x8f: {  	[sflag:s21] =	ssyncadd.s32 $0xFFFFFF80  }
0x90: {  	[tilespmem:s22], [sflag:$0x2] =	stream.indirect.gather [hbm4b:s6+s17], $0x80, s17, s17, $0xb8;
	[tilespmem:$0x1C200] =	vst v63  }
0x91: {  	_ =	swait.ge [sflag:s23], $0x4000  }
0x92: {  	[sflag:s23] =	ssyncset.done $0x0  }
0x93: {  	[sflag:s23] =	ssyncadd.s32 $0xFFFFC000  }
0x94: {  	[spmem:s4] =	stream.indirect.scatter.add.f32 [tilespmem:s15], [sflag:$0x5], $0x80, s18, s17, $0xb8;
	[tilespmem:$0x1C200] =	vst v63  }
0x95: {  	_ =	swait.ge [sflag:s16], $0x4000  }
0x96: {  	[sflag:s16] =	ssyncset.done $0x0  }
0x97: {  	[sflag:s16] =	ssyncadd.s32 $0xFFFFC000  }
0x98: {  	_ =	swait.ge [sflag:s24], $0x4000  }
0x99: {  	[sflag:s24] =	ssyncset.done $0x0  }
0x9a: {  	[sflag:s24] =	ssyncadd.s32 $0xFFFFC000  }
0x9b: {  	[spmem:s4] =	stream.indirect.scatter.add.f32 [tilespmem:s22], [sflag:$0x5], $0x80, s19, s17, $0xb8;
	[tilespmem:$0x1C200] =	vst v63  }
0x9c: {  	_ =	swait.ge [sflag:s16], $0x4000  }
0x9d: {  	s25 =	sadd.s32 $0x1, s25;
	s30 =	sshll.u32 s0, $0x6;
	[sflag:s16] =	ssyncset.done $0x0  }
0x9e: {  	p0 =	sne.s32 s25, s14;
	s26 =	sor.u32 $0x1C05, s30;
	[sflag:s16] =	ssyncadd.s32 $0xFFFFC000  }
.Ltmp2:
0x9f: {  	s31 =	sshrl.u32 s7, $0x3;
	[bflag:$0x0] =	sbarrier.arrive $0xFFFF;
	(pc) =	sbr.rel @p0 .LBB2_1-.Ltmp2, $4  }
0xa0: {  	[hbm:s13], [sflag:s26] =	dma.local [spmem:s31], $0x2800  }
0xa1: {  	_ =	swait.ge [sflag:s16], $0x2800  }
0xa2: {  	[sflag:s16] =	ssyncset.done $0x0  }
0xa3: {  	[sflag:s16] =	ssyncadd.s32 $0xFFFFD800  }
0xa4: {  	_ =	sfence.sel $0x180000  }
0xa5: {  	[bflag:$0x0] =	sbarrier.arrive $0xFFFF  }
0xa6: {  	p0 =	sne.s32 s0, $0x0;
	_ =	strace $0x9000004D  }
0xa7: {  	s0 =	sadd.s32 @!p0 $0x100000, s2;
	[bflag:$0x2] =	sbarrier.arrive $0xFFFF  }
0xa8: {  	[sflag:s0] =	ssyncadd.tile.s32 @!p0 $0x1;
	_ =	shalt  }
.Lfunc_end2:
_tile_overlayer_lowered:
.L_overlay_start_2:
0xa9: {  	(tag) =	ssettag $0x2  }
0xaa: {  	s0 =	rddreg [dreg:$0x0];
	s2 =	stileid.u32  }
0xab: {  	s1 =	rddreg [dreg:$0x1];
	p0 =	sne.s32 s2, $0x0  }
0xac: {  	s3 =	rddreg [dreg:$0x2];
	[bflag:$0x3] =	sbarrier.arrive $0xFFFF;
	s2 =	simm.s32 @!p0 $0x1C05  }
0xad: {  	[timem:s3], [sflag:s2] =	dma.local @!p0 [hbm:s0], s1  }
0xae: {  	s0 =	simm.s32 @!p0 $0x5  }
0xaf: {  	_ =	swait.ge @!p0 [sflag:s0], s1  }
0xb0: {  	s1 =	ssub.s32 @!p0 $0x0, s1;
	[sflag:s0] =	ssyncset.done @!p0 $0x0  }
0xb1: {  	[sflag:s0] =	ssyncadd.s32 @!p0 s1  }
0xb2: {  	[bflag:$0x3] =	sbarrier.arrive $0xFFFF  }
0xb3: {  	_ =	shalt  }

// kernel: kernel.8.cloned.1.call-start
scs
__scs_entry_jumppad:
0x0: {  	(pc) =	sbr.rel $0x88, $3  }
0x1: {  	(tag) =	ssettag $0x0;
	lr =	simm.s32 $0x1  }
0x2: {  	[smem:$0x3F99] =	sst lr;
	_ =	strace $0xD0000000  }
0x3: {  	_ = 	snop  }
0x4: {  	_ = 	snop  }
0x5: {  	_ = 	snop  }
0x6: {  	_ = 	snop  }
0x7: {  	_ = 	snop  }
__scs_overlays_trampoline_lowered:
0x8: {  	[smem:$0x3FA8] =	sst s0  }
0x9: {  	[smem:$0x3FA9] =	sst s1  }
0xa: {  	[smem:$0x3FAA] =	sst s2  }
0xb: {  	[smem:$0x3FAB] =	sst s3  }
0xc: {  	[smem:$0x3FAC] =	sst s4  }
0xd: {  	[smem:$0x3FAD] =	sst s5  }
0xe: {  	[smem:$0x3FAE] =	sst s6  }
0xf: {  	[smem:$0x3FAF] =	sst s7  }
0x10: {  	[smem:$0x3FB0] =	sst s8  }
0x11: {  	[smem:$0x3FB1] =	sst s9;
	s0 =	simm.s32 @!p0 $0x0  }
0x12: {  	s1 =	sld [smem:$0x3F97];
	s0 =	simm.s32 @p0 $0x1  }
0x13: {  	[smem:$0x3FB2] =	sst s0;
	s0 =	simm.s32 @!p1 $0x0  }
0x14: {  	s2 =	sld [smem:$0x3F96];
	s0 =	simm.s32 @p1 $0x1  }
0x15: {  	[smem:$0x3FB3] =	sst s0;
	s0 =	simm.s32 @!p2 $0x0  }
0x16: {  	s3 =	sld [smem:$0x3FDB];
	s0 =	simm.s32 @p2 $0x1  }
0x17: {  	s4 =	simm.s32 $0x1BF5;
	[smem:$0x3FB5] =	sst s0  }
0x18: {  	s0 =	sld [smem:$0x3F98];
	_ =	swait.ge [sflag:s4], $0x0  }
0x19: {  	s7 =	sld [smem:$0x3F99]  }
0x1a: {  	s8 =	sadd.s32 $0xFFFFE003, lr  }
0x1b: {  	s9 =	sadd.s32 $0xFFFFFEF7, lr;
	s5 =	simm.s32 $0xFFFFFFFF;
	p2 =	slt.u32 s8, $0xFFFFF086  }
0x1c: {  	p1 =	slt.u32 s9, $0xF7A;
	s5 =	simm.s32 @!p2 $0x0  }
0x1d: {  	s5 =	simm.s32 @p1 $0x1;
	p0 =	seq.s32 s7, s2  }
0x1e: {  	s7 =	smul.u32 @!p0 $0xF7A, s2;
	p2 =	seq.s32 @!p0 s5, $0x0  }
0x1f: {  	s9 =	smul.u32 $0xF7A, s1;
	s8 =	simm.s32 @!p0 $0x1BF5;
	p2 =	por !p2, p0  }
0x20: {  	[sflag:s8] =	ssyncset.s32 @!p0 $0xFFFFF086;
	s6 =	sadd.s32 @!p0 s3, s7;
	s7 =	simm.s32 @!p0 $0x108  }
0x21: {  	s3 =	sadd.s32 s3, s9;
	s6 =	sadd.s32 @!p0 $0x88, s6;
	s7 =	simm.s32 @p2 $0x1082  }
0x22: {  	[simem:s7], [sflag:s8] =	dma.local @!p0 [hbm:s6], $0xF7A  }
0x23: {  	s9 =	sor.u32 $0xD0000000, s2;
	s6 =	simm.s32 $0x108;
	_ =	swait.ge @!p0 [sflag:s8], $0x0  }
0x24: {  	s3 =	sadd.s32 $0x88, s3;
	s6 =	simm.s32 @!p1 $0x1082;
	[sflag:s4] =	ssyncset.s32 $0xFFFFF086  }
0x25: {  	[simem:s6], [sflag:s4] =	dma.local [hbm:s3], $0xF7A  }
0x26: {  	[smem:$0x3F99] =	sst s1;
	(tag) =	ssettag s2;
	_ =	strace s9  }
0x27: {  	s1 =	sld [smem:$0x3FA9]  }
0x28: {  	s2 =	sld [smem:$0x3FAA]  }
0x29: {  	s4 =	sld [smem:$0x3FAC]  }
0x2a: {  	p0 =	seq.s32 s5, $0x0;
	s5 =	sld [smem:$0x3FAD]  }
0x2b: {  	s6 =	sld [smem:$0x3FAE]  }
0x2c: {  	s7 =	sld [smem:$0x3FAF]  }
0x2d: {  	s3 =	simm.s32 $0x108;
	s8 =	sld [smem:$0x3FB0]  }
0x2e: {  	s3 =	simm.s32 @!p0 $0x1082;
	s9 =	sld [smem:$0x3FB1]  }
0x2f: {  	lr =	sadd.s32 s0, s3;
	s0 =	sld [smem:$0x3FA8]  }
0x30: {  	s3 =	sld [smem:$0x3FAB]  }
0x31: {  	[smem:$0x3FB4] =	sst s10  }
0x32: {  	s10 =	sld [smem:$0x3FB2];
	_ =	sdelay $0x3  }
0x33: {  	p0 =	seq.s32 s10, $0x1;
	s10 =	sld [smem:$0x3FB4];
	_ =	sdelay $0x3  }
0x34: {  	[smem:$0x3FB4] =	sst s10  }
0x35: {  	s10 =	sld [smem:$0x3FB3];
	_ =	sdelay $0x3  }
0x36: {  	p1 =	seq.s32 s10, $0x1;
	s10 =	sld [smem:$0x3FB4];
	_ =	sdelay $0x3  }
0x37: {  	[smem:$0x3FB4] =	sst s10  }
0x38: {  	s10 =	sld [smem:$0x3FB5]  }
0x39: {  	_ = 	snop;
	(pc) =	sbr.ind lr, $3  }
0x3a: {  	_ = 	snop  }
0x3b: {  	_ = 	snop  }
0x3c: {  	p2 =	seq.s32 s10, $0x1;
	s10 =	sld [smem:$0x3FB4]  }
0x3d: {  	_ =	shalt  }
0x3e: {  	_ =	shalt  }
0x3f: {  	_ =	shalt  }
0x40: {  	_ =	shalt  }
0x41: {  	_ =	shalt  }
0x42: {  	_ =	shalt  }
0x43: {  	_ =	shalt  }
0x44: {  	_ =	shalt  }
0x45: {  	_ =	shalt  }
0x46: {  	_ =	shalt  }
0x47: {  	_ =	shalt  }
0x48: {  	_ =	shalt  }
0x49: {  	_ =	shalt  }
0x4a: {  	_ =	shalt  }
0x4b: {  	_ =	shalt  }
0x4c: {  	_ =	shalt  }
0x4d: {  	_ =	shalt  }
0x4e: {  	_ =	shalt  }
0x4f: {  	_ =	shalt  }
0x50: {  	_ =	shalt  }
0x51: {  	_ =	shalt  }
0x52: {  	_ =	shalt  }
0x53: {  	_ =	shalt  }
0x54: {  	_ =	shalt  }
0x55: {  	_ =	shalt  }
0x56: {  	_ =	shalt  }
0x57: {  	_ =	shalt  }
0x58: {  	_ =	shalt  }
0x59: {  	_ =	shalt  }
0x5a: {  	_ =	shalt  }
0x5b: {  	_ =	shalt  }
0x5c: {  	_ =	shalt  }
0x5d: {  	_ =	shalt  }
0x5e: {  	_ =	shalt  }
0x5f: {  	_ =	shalt  }
0x60: {  	_ =	shalt  }
0x61: {  	_ =	shalt  }
0x62: {  	_ =	shalt  }
0x63: {  	_ =	shalt  }
0x64: {  	_ =	shalt  }
0x65: {  	_ =	shalt  }
0x66: {  	_ =	shalt  }
0x67: {  	_ =	shalt  }
0x68: {  	_ =	shalt  }
0x69: {  	_ =	shalt  }
0x6a: {  	_ =	shalt  }
0x6b: {  	_ =	shalt  }
0x6c: {  	_ =	shalt  }
0x6d: {  	_ =	shalt  }
0x6e: {  	_ =	shalt  }
0x6f: {  	_ =	shalt  }
0x70: {  	_ =	shalt  }
0x71: {  	_ =	shalt  }
0x72: {  	_ =	shalt  }
0x73: {  	_ =	shalt  }
0x74: {  	_ =	shalt  }
0x75: {  	_ =	shalt  }
0x76: {  	_ =	shalt  }
0x77: {  	_ =	shalt  }
0x78: {  	_ =	shalt  }
0x79: {  	_ =	shalt  }
0x7a: {  	_ =	shalt  }
0x7b: {  	_ =	shalt  }
0x7c: {  	_ =	shalt  }
0x7d: {  	_ =	shalt  }
0x7e: {  	_ =	shalt  }
0x7f: {  	_ =	shalt  }
0x80: {  	_ =	shalt  }
0x81: {  	_ =	shalt  }
0x82: {  	_ =	shalt  }
0x83: {  	_ =	shalt  }
0x84: {  	_ =	shalt  }
0x85: {  	_ =	shalt  }
0x86: {  	_ =	shalt  }
0x87: {  	_ =	shalt  }
.Lfunc_end0:
.L_simem_size_0:
called_computation_lowered:
.L_overlay_start_0:
0x88: {  	s2 =	sld [smem:$0x3FD9]  }
0x89: {  	s3 =	sld [smem:$0x3FFE];
	_ =	sdelay $0x1  }
0x8a: {  	s1 =	srdreg.scid  }
0x8b: {  	s0 =	sand.u32 $0x1, s1  }
0x8c: {  	s14 =	sshll.u32 s0, $0xA;
	s2 =	sadd.s32 s3, s2  }
0x8d: {  	s2 =	sadd.s32 s2, s14  }
0x8e: {  	[smem:$0x3FC0] =	sst s2  }
0x8f: {  	_ = 	snop  }
0x90: {  	s2 =	sld [smem:$0x3FD0];
	_ =	sdelay $0x2  }
0x91: {  	s15 =	simm.s32 $0xA;
	s4 =	simm.s32 $0x10  }
0x92: {  	[smem:s4], [sflag:s15] =	dma.local [hbm:s2], $0x1  }
0x93: {  	_ =	swait.eq [sflag:s15], $0x1  }
0x94: {  	[sflag:s15] =	ssyncset.done $0x0  }
0x95: {  	[sflag:s15] =	ssyncadd.s32 $0xFFFFFFFF  }
0x96: {  	s16 =	sld [smem:$0x11];
	(tm) =	ssettm $0x1  }
0x97: {  	s17 =	sld [smem:$0x3FFB];
	_ =	sdelay $0x3  }
0x98: {  	_ =	strace s17  }
0x99: {  	s3 =	sld [smem:$0x3FFC];
	_ =	sdelay $0x3  }
0x9a: {  	_ =	strace s3  }
0x9b: {  	s3 =	sld [smem:$0x3FFD];
	_ =	sdelay $0x3  }
0x9c: {  	_ =	strace s3  }
0x9d: {  	_ =	strace $0x8FFFFFFF  }
0x9e: {  	s18 =	sld [smem:$0x3FDB];
	_ =	sdelay $0x1  }
0x9f: {  	s19 =	simm.s32 $_scs_section_size  }
0xa0: {  	s5 =	simm.s32 $_size__tile_overlayer_lowered;
	s6 =	simm.s32 $_tile_overlayer_lowered  }
0xa1: {  	s22 =	simm.s32 $0x1BFF;
	s21 =	sshll.u32 s6, $0x1;
	s3 =	sadd.s32 s19, s18  }
0xa2: {  	s7 =	simm.s32 $0x0;
	s20 =	sshll.u32 s5, $0x1;
	s5 =	sadd.s32 s21, s3  }
0xa3: {  	[timem:s7], [sflag:s22] =	dma.local [hbm:s5], s20  }
0xa4: {  	_ =	swait.ge [sflag:s22], s20  }
0xa5: {  	s4 =	ssub.s32 $0x0, s20;
	[sflag:s22] =	ssyncset.done $0x0  }
0xa6: {  	[sflag:s22] =	ssyncadd.s32 s4;
	_ =	sdelay $0x1  }
0xa7: {  	s23 =	simm.s32 $0x1B8B  }
0xa8: {  	_ =	swait.ge [sflag:s23], $0x1  }
0xa9: {  	[sflag:s23] =	ssyncset.done $0x0  }
0xaa: {  	s25 =	simm.s32 $0x1B8E;
	s24 =	sld [smem:$0x3FFE];
	[sflag:s23] =	ssyncadd.s32 $0xFFFFFFFF  }
0xab: {  	s26 =	simm.s32 $execute0_lowered;
	[smem:$0x3FD2] =	sst s25  }
0xac: {  	s5 =	sshll.u32 s26, $0x1;
	_ =	strace $0x80000046;
	[dreg:$0x1] =	wrdreg $0xFFFFFFFF  }
0xad: {  	s28 =	simm.s32 $_size_execute0_lowered;
	s3 =	sadd.s32 s3, s5;
	[dreg:$0x0] =	wrdreg $0x0  }
0xae: {  	s5 =	sshll.u32 s28, $0x1;
	[dreg:$0x2] =	wrdreg s3  }
0xaf: {  	[dreg:$0x3] =	wrdreg s5  }
0xb0: {  	[dreg:$0x4] =	wrdreg $0xC0  }
0xb1: {  	_ =	task [dreg:s7], $0x5FFFF  }
0xb2: {  	[dreg:$0x1] =	wrdreg $0xFFFFFFFF  }
0xb3: {  	[dreg:$0x0] =	wrdreg $0x60  }
0xb4: {  	[dreg:$0x2] =	wrdreg s16  }
0xb5: {  	[dreg:$0x3] =	wrdreg s24  }
0xb6: {  	[dreg:$0x4] =	wrdreg $0x68000  }
0xb7: {  	[dreg:$0x5] =	wrdreg $0x9  }
0xb8: {  	_ =	task.clear_ibuf [dreg:s7], $0x6FFFF;
	_ =	strace $0x90000046  }
0xb9: {  	s29 =	simm.s32 $0x9;
	_ =	strace $0x80000048  }
0xba: {  	_ =	swait.ge [sflag:s29], $0x1  }
0xbb: {  	[sflag:s29] =	ssyncadd.s32 $0xFFFFFFFF  }
0xbc: {  	_ =	strace $0x90000048  }
0xbd: {  	_ =	sfence  }
0xbe: {  	s30 =	sld [smem:$0x0];
	_ =	sdelay $0x2  }
0xbf: {  	s31 =	sshll.u32 s1, $0xD;
	s1 =	sshrl.u32 s1, $0x2  }
0xc0: {  	s3 =	sand.u32 $0x4000, s31;
	s1 =	sadd.s32 s1, s30  }
0xc1: {  	s0 =	sor.u32 s3, s0;
	s1 =	sshll.u32 s1, $0x11  }
0xc2: {  	s0 =	sor.u32 s1, s0  }
0xc3: {  	s0 =	sadd.s32 $0x8F2B, s0  }
0xc4: {  	[sflag:s0] =	ssyncadd.remote.s32 $0x1  }
0xc5: {  	_ =	sfence.sel $0xFFFF  }
0xc6: {  	[dreg:$0x0] =	wrdreg $0xFFFFFFFF;
	(pc) =	sbr.abs _section_cstart, $3  }
0xc7: {  	[dreg:$0x1] =	wrdreg $0xFFFFFFFF  }
0xc8: {  	_ =	task.clear_ibuf [dreg:s7], $0x2FFFF;
	_ =	strace $0x9FFFFFFF  }
0xc9: {  	(tm) =	ssettm $0x7FFFFFFF  }
tec
execute0_lowered:
.L_overlay_start_1:
0x0: {  	(tag) =	ssettag $0x1  }
0x1: {  	s9 =	rddreg [dreg:$0x0]  }
0x2: {  	s6 =	rddreg [dreg:$0x1]  }
0x3: {  	s0 =	srdreg.scid;
	s2 =	rddreg [dreg:$0x2]  }
0x4: {  	s1 =	rddreg [dreg:$0x3];
	s3 =	simm.s32 $0x0;
	s4 =	sand.u32 $0x1, s0  }
0x5: {  	s13 =	simm.s32 $0x1;
	s0 =	stileid.u32;
	s5 =	smul.u32 $0x140000, s4  }
0x6: {  	s14 =	simm.s32 $0x80;
	[smem:$0x7FF] =	sst s3;
	s7 =	smul.u32 $0x14000, s0  }
0x7: {  	s28 =	smul.u32 $0x50000, s0;
	_ =	strace $0x80000047;
	s29 =	ssub.s32 $0x2, s4  }
0x8: {  	s4 =	sshll.u32 s4, $0x4;
	s15 =	sshll.u32 s0, $0x6;
	s31 =	sshrl.u32 s29, $0x1  }
0x9: {  	s8 =	sor.u32 s0, s4;
	s15 =	sor.u32 $0x1C01, s15;
	s5 =	sadd.s32 s7, s5  }
0xa: {  	s30 =	sshrl.u32 s28, $0x2;
	s11 =	ssub.s32 s29, s31;
	s12 =	smul.u32 $0x500, s8  }
0xb: {  	s5 =	sshrl.u32 s5, $0x3;
	s4 =	sadd.s32 s30, s2;
	s11 =	smax.u32 s11, $0x1  }
0xc: {  	s10 =	sadd.s32 s5, s6;
	s5 =	sadd.s32 $0x4000, s4;
	s6 =	sadd.s32 $0x8000, s4  }
0xd: {  	s7 =	sadd.s32 $0xC000, s4;
	s8 =	sadd.s32 $0x10000, s4;
	s9 =	sadd.s32 s9, s12  }
0xe: {  	v0 =	vimm.f32 $0.0e+00;
	v1 =	vimm.f32 $1.000000000e+00;
	s12 =	simm.s32 $0x2800;
	s16 =	sshrl.u32 s4, $0x3;
	s10 =	sadd.s32 $0x2800, s10  }
.LBB2_1:
0xf: {  	s17 =	simm.s32 $0x200;
	s18 =	simm.s32 $0x0  }
.LBB2_2:
0x10: {  	p0 =	sne.s32 s17, $0xFE00;
	[tilespmem:s18+$0x2800] =	vst v0;
	s18 =	smov.u32 s17;
	s17 =	sadd.s32 $0x200, s17  }
.Ltmp0:
0x11: {  	(pc) =	sbr.rel @p0 .LBB2_2-.Ltmp0, $2  }
0x12: {  	_ =	sdelay $0x2  }
0x13: {  	s18 =	sshra.s32 s18, $0x2  }
0x14: {  	[tilespmem:s18+$0x2800] =	vst v0  }
0x15: {  	[spmem:s4] =	stream.linear.scatter [tilespmem:s12], [sflag:$0x1], $0x4000, $0x38;
	[tilespmem:$0x9000] =	vst v63  }
0x16: {  	_ =	swait.ge [sflag:s13], $0x4000  }
0x17: {  	[sflag:s13] =	ssyncset.done $0x0  }
0x18: {  	[sflag:s13] =	ssyncadd.s32 $0xFFFFC000  }
0x19: {  	[spmem:s5] =	stream.linear.scatter [tilespmem:s12], [sflag:$0x1], $0x4000, $0x38;
	[tilespmem:$0x9000] =	vst v63  }
0x1a: {  	_ =	swait.ge [sflag:s13], $0x4000  }
0x1b: {  	[sflag:s13] =	ssyncset.done $0x0  }
0x1c: {  	[sflag:s13] =	ssyncadd.s32 $0xFFFFC000  }
0x1d: {  	[spmem:s6] =	stream.linear.scatter [tilespmem:s12], [sflag:$0x1], $0x4000, $0x38;
	[tilespmem:$0x9000] =	vst v63  }
0x1e: {  	_ =	swait.ge [sflag:s13], $0x4000  }
0x1f: {  	[sflag:s13] =	ssyncset.done $0x0  }
0x20: {  	[sflag:s13] =	ssyncadd.s32 $0xFFFFC000  }
0x21: {  	[spmem:s7] =	stream.linear.scatter [tilespmem:s12], [sflag:$0x1], $0x4000, $0x38;
	[tilespmem:$0x9000] =	vst v63  }
0x22: {  	_ =	swait.ge [sflag:s13], $0x4000  }
0x23: {  	[sflag:s13] =	ssyncset.done $0x0  }
0x24: {  	[sflag:s13] =	ssyncadd.s32 $0xFFFFC000  }
0x25: {  	[spmem:s8] =	stream.linear.scatter [tilespmem:s12], [sflag:$0x1], $0x4000, $0x38;
	[tilespmem:$0x9000] =	vst v63  }
0x26: {  	_ =	swait.ge [sflag:s13], $0x4000  }
0x27: {  	[sflag:s13] =	ssyncset.done $0x0  }
0x28: {  	s17 =	simm.s32 $0x200;
	s18 =	simm.s32 $0x0;
	[sflag:s13] =	ssyncadd.s32 $0xFFFFC000  }
.LBB2_4:
0x29: {  	p0 =	sne.s32 s17, $0xFE00;
	[tilespmem:s18+$0x2800] =	vst v1;
	s18 =	smov.u32 s17;
	s17 =	sadd.s32 $0x200, s17  }
.Ltmp1:
0x2a: {  	(pc) =	sbr.rel @p0 .LBB2_4-.Ltmp1, $2  }
0x2b: {  	_ =	sdelay $0x2  }
0x2c: {  	s18 =	sshra.s32 s18, $0x2  }
0x2d: {  	[tilespmem:s18+$0x2800] =	vst v1;
	s17 =	simm.s32 $0x0  }
0x2e: {  	[tilespmem:s17], [sflag:$0x1] =	stream.linear.gather [hbm4b:s9+s17], $0x2800, $0x38;
	[tilespmem:$0x9000] =	vst v63  }
0x2f: {  	_ =	swait.ge [sflag:s13], $0x2800  }
0x30: {  	[sflag:s13] =	ssyncset.done $0x0  }
0x31: {  	[sflag:s13] =	ssyncadd.s32 $0xFFFFD800  }
0x32: {  	s31 =	simm.s32 $0x0;
	[bflag:$0x0] =	sbarrier.arrive $0xFFFF  }
0x33: {  	[spmem:s2] =	stream.indirect.scatter.add.f32 [tilespmem:s12], [sflag:$0x1], $0x10, s31, s14, $0xb8;
	[tilespmem:$0x9000] =	vst v63  }
0x34: {  	_ =	swait.ge [sflag:s13], $0x800  }
0x35: {  	s17 =	simm.s32 $0x200;
	[sflag:s13] =	ssyncset.done $0x0  }
.LBB2_6:
0x36: {  	s18 =	sshra.s32 s17, $0x2;
	[sflag:s13] =	ssyncadd.s32 $0xFFFFF800;
	p0 =	sne.s32 s17, $0x9E00  }
0x37: {  	[spmem:s2] =	stream.indirect.scatter.add.f32 [tilespmem:s12], [sflag:$0x1], $0x10, s18, s14, $0xb8;
	[tilespmem:$0x9000] =	vst v63  }
.Ltmp2:
0x38: {  	_ = 	snop;
	(pc) =	sbr.rel @p0 .LBB2_6-.Ltmp2, $4  }
0x39: {  	_ = 	snop  }
0x3a: {  	s17 =	sadd.s32 $0x200, s17  }
0x3b: {  	_ =	swait.ge [sflag:s13], $0x800  }
0x3c: {  	[sflag:s13] =	ssyncset.done $0x0  }
0x3d: {  	s3 =	sadd.s32 $0x1, s3  }
0x3e: {  	[sflag:s13] =	ssyncadd.s32 $0xFFFFF800;
	p0 =	sne.s32 s3, s11  }
.Ltmp3:
0x3f: {  	[bflag:$0x0] =	sbarrier.arrive $0xFFFF;
	(pc) =	sbr.rel @p0 .LBB2_1-.Ltmp3, $4  }
0x40: {  	[hbm:s10], [sflag:s15] =	dma.local [spmem:s16], $0x2800  }
0x41: {  	_ =	swait.ge [sflag:s13], $0x2800  }
0x42: {  	[sflag:s13] =	ssyncset.done $0x0  }
0x43: {  	[sflag:s13] =	ssyncadd.s32 $0xFFFFD800  }
0x44: {  	_ =	sfence.sel $0x180000  }
0x45: {  	[bflag:$0x0] =	sbarrier.arrive $0xFFFF  }
0x46: {  	p0 =	sne.s32 s0, $0x0;
	_ =	strace $0x90000047  }
0x47: {  	s0 =	sadd.s32 @!p0 $0x100000, s1;
	[bflag:$0x2] =	sbarrier.arrive $0xFFFF  }
0x48: {  	[sflag:s0] =	ssyncadd.tile.s32 @!p0 $0x1;
	_ =	shalt  }
.Lfunc_end2:
_tile_overlayer_lowered:
.L_overlay_start_2:
0x49: {  	(tag) =	ssettag $0x2  }
0x4a: {  	s0 =	rddreg [dreg:$0x0];
	s2 =	stileid.u32  }
0x4b: {  	s1 =	rddreg [dreg:$0x1];
	p0 =	sne.s32 s2, $0x0  }
0x4c: {  	s3 =	rddreg [dreg:$0x2];
	[bflag:$0x3] =	sbarrier.arrive $0xFFFF;
	s2 =	simm.s32 @!p0 $0x1C01  }
0x4d: {  	[timem:s3], [sflag:s2] =	dma.local @!p0 [hbm:s0], s1  }
0x4e: {  	s0 =	simm.s32 @!p0 $0x1  }
0x4f: {  	_ =	swait.ge @!p0 [sflag:s0], s1  }
0x50: {  	s1 =	ssub.s32 @!p0 $0x0, s1;
	[sflag:s0] =	ssyncset.done @!p0 $0x0  }
0x51: {  	[sflag:s0] =	ssyncadd.s32 @!p0 s1  }
0x52: {  	[bflag:$0x3] =	sbarrier.arrive $0xFFFF  }
0x53: {  	_ =	shalt  }

</sc_bundles>
